<compile_context>
chip_gen: v7x
topology: tpu7x:2x2x1
jax: 0.10.2.dev20260603
libtpu: 0.0.44.dev20260713+nightly
codegen_flags: <defaults>
</compile_context>

<pallas_src>
import functools

import jax
import jax.numpy as jnp
from jax import lax
from jax.experimental import pallas as pl
from jax.experimental.pallas import tpu as pltpu
from jax.experimental.pallas import tpu_sc as plsc

N = 10000
F = 128
H = 64
E = 320000
NC, NS = 2, 16
NW = NC * NS
CH = 128
NCH = 80
K = 4
E_PAD = NW * NCH * CH
ACC = 10112
STRIPE = ACC // NS
DUMP = N
DW = 16

f32 = jnp.float32

_mesh = plsc.VectorSubcoreMesh(core_axis_name="c", subcore_axis_name="s")
_sc_params = pltpu.CompilerParams(use_tc_tiling_on_sc=False)


@functools.partial(
    pl.kernel,
    out_type=jax.ShapeDtypeStruct((NC, ACC, DW), f32),
    mesh=_mesh,
    scratch_types=[
        pltpu.VMEM((NCH, CH), jnp.int32),
        pltpu.VMEM((CH, DW), f32),
        pltpu.VMEM_SHARED((ACC, DW), f32),
    ],
    compiler_params=_sc_params,
)
def _sc_degree(dst_hbm, ones_hbm, zeros_hbm, out_hbm, didx, ones, hist):
    c = lax.axis_index("c")
    s = lax.axis_index("s")
    w = c * NS + s
    pltpu.sync_copy(zeros_hbm.at[pl.ds(s * STRIPE, STRIPE)],
                    hist.at[pl.ds(s * STRIPE, STRIPE)])
    pltpu.sync_copy(dst_hbm.at[w], didx)
    pltpu.sync_copy(ones_hbm, ones)
    plsc.subcore_barrier()

    @pl.loop(0, NCH)
    def _(j):
        pltpu.sync_copy(ones, hist.at[didx.at[j]], add=True)

    plsc.subcore_barrier()
    pltpu.sync_copy(hist.at[pl.ds(s * STRIPE, STRIPE)],
                    out_hbm.at[c, pl.ds(s * STRIPE, STRIPE)])


def _make_prop_gatheronly(width):
    @functools.partial(
        pl.kernel,
        out_type=jax.ShapeDtypeStruct((NC, ACC, H), f32),
        mesh=_mesh,
        scratch_types=[
            pltpu.VMEM((NCH, CH), jnp.int32),
            pltpu.VMEM((NCH, CH), jnp.int32),
            [pltpu.VMEM((CH, width), f32)] * K,
            [pltpu.SemaphoreType.DMA] * K,
            [pltpu.SemaphoreType.DMA] * K,
            pltpu.VMEM_SHARED((ACC, H), f32),
        ],
        compiler_params=_sc_params,
    )
    def _sc_propagate(g_hbm, gw_hbm, src_hbm, dst_hbm, zeros_hbm, out_hbm,
                      sidx, didx, rows, gsems, ssems, acc):
        c = lax.axis_index("c")
        s = lax.axis_index("s")
        w = c * NS + s
        pltpu.sync_copy(zeros_hbm.at[pl.ds(s * STRIPE, STRIPE)],
                        acc.at[pl.ds(s * STRIPE, STRIPE)])
        pltpu.sync_copy(src_hbm.at[w], sidx)
        pltpu.sync_copy(dst_hbm.at[w], didx)
        plsc.subcore_barrier()

        @pl.loop(0, NCH, step=K)
        def _(j):
            gets = [
                pltpu.async_copy(gw_hbm.at[sidx.at[j + k]], rows[k],
                                 gsems[k])
                for k in range(K)
            ]
            for k in range(K):
                gets[k].wait()

        plsc.subcore_barrier()
        pltpu.sync_copy(acc.at[pl.ds(s * STRIPE, STRIPE)],
                        out_hbm.at[c, pl.ds(s * STRIPE, STRIPE)])

    return _sc_propagate


_sc_propagate = _make_prop_gatheronly(16)
_sc_propagate2 = _make_prop_gatheronly(64)


def _tc_matmul_body(x_ref, w_ref, o_ref):
    o_ref[...] = jnp.dot(x_ref[...], w_ref[...], preferred_element_type=f32)


def _tc_norm_body(p0_ref, p1_ref, h_ref, g_ref, d_ref):
    dv = lax.rsqrt(p0_ref[...] + p1_ref[...] + 1.0)
    g_ref[...] = h_ref[...] * dv
    d_ref[...] = dv


def _tc_layer2_body(a0_ref, a1_ref, g1_ref, d_ref, b1_ref, w2_ref, g2_ref):
    s1 = jnp.maximum(
        d_ref[...] * (a0_ref[...] + a1_ref[...] + g1_ref[...]) + b1_ref[...],
        0.0)
    g2_ref[...] = jnp.dot(s1, w2_ref[...],
                          preferred_element_type=f32) * d_ref[...]


def _tc_head_body(a0_ref, a1_ref, g2_ref, d_ref, b2_ref, wc_ref, bc_ref,
                  o_ref):
    hh = d_ref[...] * (a0_ref[...] + a1_ref[...] + g2_ref[...]) + b2_ref[...]
    lg = jnp.dot(hh, wc_ref[...], preferred_element_type=f32) + bc_ref[...]
    o_ref[...] = jax.nn.sigmoid(lg)


_tc_matmul = pl.pallas_call(
    _tc_matmul_body, out_shape=jax.ShapeDtypeStruct((N, H), f32))
_tc_norm = pl.pallas_call(
    _tc_norm_body,
    out_shape=[jax.ShapeDtypeStruct((N, H), f32),
               jax.ShapeDtypeStruct((N, 1), f32)])
_tc_layer2 = pl.pallas_call(
    _tc_layer2_body, out_shape=jax.ShapeDtypeStruct((N, H), f32))
_tc_head = pl.pallas_call(
    _tc_head_body, out_shape=jax.ShapeDtypeStruct((N, 1), f32))


@jax.jit
def _run(x, edge_index, W1, b1, W2, b2, Wc, bc):
    src = edge_index[0].astype(jnp.int32)
    dst = edge_index[1].astype(jnp.int32)
    pad = E_PAD - E
    src3 = jnp.concatenate(
        [src, jnp.zeros((pad,), jnp.int32)]).reshape(NW, NCH, CH)
    dst3 = jnp.concatenate(
        [dst, jnp.full((pad,), DUMP, jnp.int32)]).reshape(NW, NCH, CH)
    ones_rows = jnp.ones((CH, DW), f32)
    zeros_hist = jnp.zeros((ACC, DW), f32)
    zeros_acc = jnp.zeros((ACC, H), f32)

    degp = _sc_degree(dst3, ones_rows, zeros_hist)
    h1 = _tc_matmul(x, W1)

    p0 = degp[0, :N, 0].reshape(N, 1)
    p1 = degp[1, :N, 0].reshape(N, 1)
    g1, dinv = _tc_norm(p0, p1, h1)

    acc1 = _sc_propagate(g1, g1[:, :16], src3, dst3, zeros_acc)
    g2 = _tc_layer2(acc1[0, :N], acc1[1, :N], g1, dinv,
                    b1.reshape(1, H), W2)

    acc2 = _sc_propagate2(g2, g2, src3, dst3, zeros_acc)
    out = _tc_head(acc2[0, :N], acc2[1, :N], g2, dinv,
                   b2.reshape(1, H), Wc, bc.reshape(1, 1))
    return out[:, 0]


def kernel(x, edge_index, W1, b1, W2, b2, Wc, bc):
    return _run(x, edge_index, W1, b1, W2, b2, Wc, bc)

# --- scband reference (transcript-rebuilt; emitter-appended) ---
"""Pipeline reference for scband-gcn-45268955300496 (READ-ONLY COPY).

The authoritative reference and input builder live on the scoring server;
editing this copy changes nothing except your own understanding.
"""

import jax, jax.numpy as jnp
import numpy as np

N_NODES = 10000
N_EDGES = 320000
F_IN = 128
HID = 64


def setup_inputs(seed: int = 0) -> dict:
    key = jax.random.key(seed)
    ks = jax.random.split(key, 8)
    x = jax.random.normal(ks[0], (N_NODES, F_IN), dtype=jnp.float32)
    edge_index = jax.random.randint(ks[1], (2, N_EDGES), 0, N_NODES).astype(jnp.int64)
    W1 = jax.random.normal(ks[2], (F_IN, HID), dtype=jnp.float32) * 0.05
    b1 = jnp.zeros((HID,), dtype=jnp.float32)
    W2 = jax.random.normal(ks[3], (HID, HID), dtype=jnp.float32) * 0.05
    b2 = jnp.zeros((HID,), dtype=jnp.float32)
    Wc = jax.random.normal(ks[4], (HID, 1), dtype=jnp.float32) * 0.05
    bc = jnp.zeros((1,), dtype=jnp.float32)
    return {"x": x, "edge_index": edge_index, "W1": W1, "b1": b1, "W2": W2, "b2": b2, "Wc": Wc, "bc": bc}


def _gcn_conv(x, edge_index, W, b):
    # PyG GCNConv: add self-loops, symmetric normalization D^-1/2 A D^-1/2, linear transform, scatter-add
    n = x.shape[0]
    loop = jnp.arange(n, dtype=edge_index.dtype)
    src = jnp.concatenate([edge_index[0], loop])
    dst = jnp.concatenate([edge_index[1], loop])
    deg = jnp.zeros((n,), dtype=jnp.float32).at[dst].add(1.0)
    dinv = jnp.where(deg > 0, jax.lax.rsqrt(deg), 0.0)
    norm = dinv[src] * dinv[dst]
    h = x @ W
    msgs = norm[:, None] * jnp.take(h, src, axis=0)
    out = jnp.zeros((n, W.shape[1]), dtype=jnp.float32).at[dst].add(msgs)
    return out + b


def reference(x, edge_index, W1, b1, W2, b2, Wc, bc):
    h = _gcn_conv(x, edge_index, W1, b1)
    h = jax.nn.relu(h)
    # dropout is identity in eval mode
    h = _gcn_conv(h, edge_index, W2, b2)
    logits = h @ Wc + bc
    return jax.nn.sigmoid(logits).squeeze()

if __name__ == "__main__":
    import jax
    _d = setup_inputs()
    print(jax.jit(kernel)(*tuple(_d.values())))

</pallas_src>

<mosaic_0001>
#map = affine_map<(d0, d1) -> (0, 0)>
#map1 = affine_map<(d0, d1) -> (0, 0, 0)>
module attributes {stable_mosaic.version = 14 : i64} {
  func.func @_sc_propagate(%arg0: i32, %arg1: i32, %arg2: memref<10000x64xf32, #tpu.memory_space<hbm>>, %arg3: memref<10000x16xf32, #tpu.memory_space<hbm>>, %arg4: memref<32x80x128xi32, #tpu.memory_space<hbm>>, %arg5: memref<32x80x128xi32, #tpu.memory_space<hbm>>, %arg6: memref<10112x64xf32, #tpu.memory_space<hbm>>, %arg7: memref<2x10112x64xf32, #tpu.memory_space<hbm>>, %arg8: memref<80x128xi32, #tpu.memory_space<vmem>>, %arg9: memref<80x128xi32, #tpu.memory_space<vmem>>, %arg10: memref<128x16xf32, #tpu.memory_space<vmem>>, %arg11: memref<128x16xf32, #tpu.memory_space<vmem>>, %arg12: memref<128x16xf32, #tpu.memory_space<vmem>>, %arg13: memref<128x16xf32, #tpu.memory_space<vmem>>, %arg14: memref<!tpu.dma_semaphore, #tpu.memory_space<semaphore_mem>>, %arg15: memref<!tpu.dma_semaphore, #tpu.memory_space<semaphore_mem>>, %arg16: memref<!tpu.dma_semaphore, #tpu.memory_space<semaphore_mem>>, %arg17: memref<!tpu.dma_semaphore, #tpu.memory_space<semaphore_mem>>, %arg18: memref<!tpu.dma_semaphore, #tpu.memory_space<semaphore_mem>>, %arg19: memref<!tpu.dma_semaphore, #tpu.memory_space<semaphore_mem>>, %arg20: memref<!tpu.dma_semaphore, #tpu.memory_space<semaphore_mem>>, %arg21: memref<!tpu.dma_semaphore, #tpu.memory_space<semaphore_mem>>, %arg22: memref<10112x64xf32, #tpu.memory_space<vmem_shared>>) attributes {dimension_semantics = [#tpu.dimension_semantics<core_parallel>, #tpu.dimension_semantics<subcore_parallel>], iteration_bounds = array<i64: 2, 16>, scalar_prefetch = 0 : i64, scratch_operands = 15 : i64, tpu.core_type = #tpu.core_type<sc_vector_subcore>, window_params = [{transform_indices = #map}, {transform_indices = #map}, {transform_indices = #map1}, {transform_indices = #map1}, {transform_indices = #map}, {transform_indices = #map1}]} {
    %mul3A = arith.constant 16 : i32
    %mul3A_0 = arith.muli %arg0, %mul3A : i32
    %add3A = arith.addi %mul3A_0, %arg1 : i32
    %mul3A_1 = arith.constant 632 : i32
    %mul3A_2 = arith.muli %arg1, %mul3A_1 : i32
    %mul3A_3 = arith.constant 632 : i32
    %mul3A_4 = arith.muli %arg1, %mul3A_3 : i32
    "tpu.region"() ({
      %run_scoped3A = tpu.sem_alloc : memref<!tpu.dma_semaphore, #tpu.memory_space<semaphore_mem>>
      %dma_start3A = arith.constant 0 : i32
      %dma_start3A_14 = tpu.memref_slice %arg22[%mul3A_4, %dma_start3A] : memref<10112x64xf32, #tpu.memory_space<vmem_shared>> -> memref<632x64xf32, #tpu.memory_space<vmem_shared>>
      %dma_start3A_15 = arith.constant 0 : i32
      %dma_start3A_16 = tpu.memref_slice %arg6[%mul3A_2, %dma_start3A_15] : memref<10112x64xf32, #tpu.memory_space<hbm>> -> memref<632x64xf32, #tpu.memory_space<hbm>>
      tpu.enqueue_dma source(%dma_start3A_16 : memref<632x64xf32, #tpu.memory_space<hbm>>) target(%dma_start3A_14 : memref<632x64xf32, #tpu.memory_space<vmem_shared>>) target_semaphore(%run_scoped3A : memref<!tpu.dma_semaphore, #tpu.memory_space<semaphore_mem>>)
      %dma_wait3A = arith.constant 0 : i32
      %dma_wait3A_17 = tpu.memref_slice %arg22[%mul3A_4, %dma_wait3A] : memref<10112x64xf32, #tpu.memory_space<vmem_shared>> -> memref<632x64xf32, #tpu.memory_space<vmem_shared>>
      %dma_wait3A_18 = arith.constant 0 : i32
      %dma_wait3A_19 = tpu.memref_slice %arg6[%mul3A_2, %dma_wait3A_18] : memref<10112x64xf32, #tpu.memory_space<hbm>> -> memref<632x64xf32, #tpu.memory_space<hbm>>
      tpu.wait_dma2 semaphore(%run_scoped3A : memref<!tpu.dma_semaphore, #tpu.memory_space<semaphore_mem>>) src(%dma_wait3A_19 : memref<632x64xf32, #tpu.memory_space<hbm>>) dst(%dma_wait3A_17 : memref<632x64xf32, #tpu.memory_space<vmem_shared>>)
      tpu.yield
    }) : () -> ()
    "tpu.region"() ({
      %run_scoped3A = tpu.sem_alloc : memref<!tpu.dma_semaphore, #tpu.memory_space<semaphore_mem>>
      %dma_start3A = arith.constant 0 : i32
      %dma_start3A_14 = arith.constant 0 : i32
      %dma_start3A_15 = tpu.memref_slice %arg4[%add3A, %dma_start3A, %dma_start3A_14] : memref<32x80x128xi32, #tpu.memory_space<hbm>> -> memref<1x80x128xi32, #tpu.memory_space<hbm>>
      %dma_start3A_16 = tpu.memref_squeeze %dma_start3A_15 : memref<1x80x128xi32, #tpu.memory_space<hbm>> -> memref<80x128xi32, #tpu.memory_space<hbm>>
      %dma_start3A_17 = arith.constant 0 : i32
      %dma_start3A_18 = arith.constant 0 : i32
      %dma_start3A_19 = tpu.memref_slice %arg4[%add3A, %dma_start3A_17, %dma_start3A_18] : memref<32x80x128xi32, #tpu.memory_space<hbm>> -> memref<1x80x128xi32, #tpu.memory_space<hbm>>
      %dma_start3A_20 = tpu.memref_squeeze %dma_start3A_19 : memref<1x80x128xi32, #tpu.memory_space<hbm>> -> memref<80x128xi32, #tpu.memory_space<hbm>>
      tpu.enqueue_dma source(%dma_start3A_20 : memref<80x128xi32, #tpu.memory_space<hbm>>) target(%arg8 : memref<80x128xi32, #tpu.memory_space<vmem>>) target_semaphore(%run_scoped3A : memref<!tpu.dma_semaphore, #tpu.memory_space<semaphore_mem>>)
      %dma_wait3A = arith.constant 0 : i32
      %dma_wait3A_21 = arith.constant 0 : i32
      %dma_wait3A_22 = tpu.memref_slice %arg4[%add3A, %dma_wait3A, %dma_wait3A_21] : memref<32x80x128xi32, #tpu.memory_space<hbm>> -> memref<1x80x128xi32, #tpu.memory_space<hbm>>
      %dma_wait3A_23 = tpu.memref_squeeze %dma_wait3A_22 : memref<1x80x128xi32, #tpu.memory_space<hbm>> -> memref<80x128xi32, #tpu.memory_space<hbm>>
      %dma_wait3A_24 = arith.constant 0 : i32
      %dma_wait3A_25 = arith.constant 0 : i32
      %dma_wait3A_26 = tpu.memref_slice %arg4[%add3A, %dma_wait3A_24, %dma_wait3A_25] : memref<32x80x128xi32, #tpu.memory_space<hbm>> -> memref<1x80x128xi32, #tpu.memory_space<hbm>>
      %dma_wait3A_27 = tpu.memref_squeeze %dma_wait3A_26 : memref<1x80x128xi32, #tpu.memory_space<hbm>> -> memref<80x128xi32, #tpu.memory_space<hbm>>
      tpu.wait_dma2 semaphore(%run_scoped3A : memref<!tpu.dma_semaphore, #tpu.memory_space<semaphore_mem>>) src(%dma_wait3A_27 : memref<80x128xi32, #tpu.memory_space<hbm>>) dst(%arg8 : memref<80x128xi32, #tpu.memory_space<vmem>>)
      tpu.yield
    }) : () -> ()
    "tpu.region"() ({
      %run_scoped3A = tpu.sem_alloc : memref<!tpu.dma_semaphore, #tpu.memory_space<semaphore_mem>>
      %dma_start3A = arith.constant 0 : i32
      %dma_start3A_14 = arith.constant 0 : i32
      %dma_start3A_15 = tpu.memref_slice %arg5[%add3A, %dma_start3A, %dma_start3A_14] : memref<32x80x128xi32, #tpu.memory_space<hbm>> -> memref<1x80x128xi32, #tpu.memory_space<hbm>>
      %dma_start3A_16 = tpu.memref_squeeze %dma_start3A_15 : memref<1x80x128xi32, #tpu.memory_space<hbm>> -> memref<80x128xi32, #tpu.memory_space<hbm>>
      %dma_start3A_17 = arith.constant 0 : i32
      %dma_start3A_18 = arith.constant 0 : i32
      %dma_start3A_19 = tpu.memref_slice %arg5[%add3A, %dma_start3A_17, %dma_start3A_18] : memref<32x80x128xi32, #tpu.memory_space<hbm>> -> memref<1x80x128xi32, #tpu.memory_space<hbm>>
      %dma_start3A_20 = tpu.memref_squeeze %dma_start3A_19 : memref<1x80x128xi32, #tpu.memory_space<hbm>> -> memref<80x128xi32, #tpu.memory_space<hbm>>
      tpu.enqueue_dma source(%dma_start3A_20 : memref<80x128xi32, #tpu.memory_space<hbm>>) target(%arg9 : memref<80x128xi32, #tpu.memory_space<vmem>>) target_semaphore(%run_scoped3A : memref<!tpu.dma_semaphore, #tpu.memory_space<semaphore_mem>>)
      %dma_wait3A = arith.constant 0 : i32
      %dma_wait3A_21 = arith.constant 0 : i32
      %dma_wait3A_22 = tpu.memref_slice %arg5[%add3A, %dma_wait3A, %dma_wait3A_21] : memref<32x80x128xi32, #tpu.memory_space<hbm>> -> memref<1x80x128xi32, #tpu.memory_space<hbm>>
      %dma_wait3A_23 = tpu.memref_squeeze %dma_wait3A_22 : memref<1x80x128xi32, #tpu.memory_space<hbm>> -> memref<80x128xi32, #tpu.memory_space<hbm>>
      %dma_wait3A_24 = arith.constant 0 : i32
      %dma_wait3A_25 = arith.constant 0 : i32
      %dma_wait3A_26 = tpu.memref_slice %arg5[%add3A, %dma_wait3A_24, %dma_wait3A_25] : memref<32x80x128xi32, #tpu.memory_space<hbm>> -> memref<1x80x128xi32, #tpu.memory_space<hbm>>
      %dma_wait3A_27 = tpu.memref_squeeze %dma_wait3A_26 : memref<1x80x128xi32, #tpu.memory_space<hbm>> -> memref<80x128xi32, #tpu.memory_space<hbm>>
      tpu.wait_dma2 semaphore(%run_scoped3A : memref<!tpu.dma_semaphore, #tpu.memory_space<semaphore_mem>>) src(%dma_wait3A_27 : memref<80x128xi32, #tpu.memory_space<hbm>>) dst(%arg9 : memref<80x128xi32, #tpu.memory_space<vmem>>)
      tpu.yield
    }) : () -> ()
    %barrier3A = arith.constant 0 : index
    tpu.barrier barrier_id(%barrier3A)
    %scan3A = arith.constant 0 : i32
    %scan3A_5 = arith.constant 20 : i32
    %scan3A_6 = arith.addi %scan3A, %scan3A_5 : i32
    %scan3A_7 = arith.constant 1 : i32
    scf.for %scan3A_14 = %scan3A to %scan3A_6 step %scan3A_7  : i32 {
      %mul3A_15 = arith.constant 4 : i32
      %mul3A_16 = arith.muli %scan3A_14, %mul3A_15 : i32
      %add3A_17 = arith.constant 0 : i32
      %add3A_18 = arith.addi %add3A_17, %mul3A_16 : i32
      %add3A_19 = arith.constant 0 : i32
      %add3A_20 = arith.addi %add3A_18, %add3A_19 : i32
      %dma_start3A = arith.constant 0 : i32
      %dma_start3A_21 = tpu.memref_slice %arg8[%add3A_20, %dma_start3A] : memref<80x128xi32, #tpu.memory_space<vmem>> -> memref<1x128xi32, #tpu.memory_space<vmem>>
      %dma_start3A_22 = tpu.memref_squeeze %dma_start3A_21 : memref<1x128xi32, #tpu.memory_space<vmem>> -> memref<128xi32, #tpu.memory_space<vmem>>
      %dma_start3A_23 = arith.constant 0 : i32
      %dma_start3A_24 = arith.constant 0 : i32
      %dma_start3A_25 = tpu.memref_slice %arg3[%dma_start3A_23, %dma_start3A_24] : memref<10000x16xf32, #tpu.memory_space<hbm>> -> memref<10000x16xf32, #tpu.memory_space<hbm>>
      tpu.enqueue_indirect_dma source(%dma_start3A_25 : memref<10000x16xf32, #tpu.memory_space<hbm>>) target(%arg10 : memref<128x16xf32, #tpu.memory_space<vmem>>) offsets(%dma_start3A_22 : memref<128xi32, #tpu.memory_space<vmem>>) semaphore(%arg14 : memref<!tpu.dma_semaphore, #tpu.memory_space<semaphore_mem>>)
      %add3A_26 = arith.constant 1 : i32
      %add3A_27 = arith.addi %add3A_18, %add3A_26 : i32
      %dma_start3A_28 = arith.constant 0 : i32
      %dma_start3A_29 = tpu.memref_slice %arg8[%add3A_27, %dma_start3A_28] : memref<80x128xi32, #tpu.memory_space<vmem>> -> memref<1x128xi32, #tpu.memory_space<vmem>>
      %dma_start3A_30 = tpu.memref_squeeze %dma_start3A_29 : memref<1x128xi32, #tpu.memory_space<vmem>> -> memref<128xi32, #tpu.memory_space<vmem>>
      %dma_start3A_31 = arith.constant 0 : i32
      %dma_start3A_32 = arith.constant 0 : i32
      %dma_start3A_33 = tpu.memref_slice %arg3[%dma_start3A_31, %dma_start3A_32] : memref<10000x16xf32, #tpu.memory_space<hbm>> -> memref<10000x16xf32, #tpu.memory_space<hbm>>
      tpu.enqueue_indirect_dma source(%dma_start3A_33 : memref<10000x16xf32, #tpu.memory_space<hbm>>) target(%arg11 : memref<128x16xf32, #tpu.memory_space<vmem>>) offsets(%dma_start3A_30 : memref<128xi32, #tpu.memory_space<vmem>>) semaphore(%arg15 : memref<!tpu.dma_semaphore, #tpu.memory_space<semaphore_mem>>)
      %add3A_34 = arith.constant 2 : i32
      %add3A_35 = arith.addi %add3A_18, %add3A_34 : i32
      %dma_start3A_36 = arith.constant 0 : i32
      %dma_start3A_37 = tpu.memref_slice %arg8[%add3A_35, %dma_start3A_36] : memref<80x128xi32, #tpu.memory_space<vmem>> -> memref<1x128xi32, #tpu.memory_space<vmem>>
      %dma_start3A_38 = tpu.memref_squeeze %dma_start3A_37 : memref<1x128xi32, #tpu.memory_space<vmem>> -> memref<128xi32, #tpu.memory_space<vmem>>
      %dma_start3A_39 = arith.constant 0 : i32
      %dma_start3A_40 = arith.constant 0 : i32
      %dma_start3A_41 = tpu.memref_slice %arg3[%dma_start3A_39, %dma_start3A_40] : memref<10000x16xf32, #tpu.memory_space<hbm>> -> memref<10000x16xf32, #tpu.memory_space<hbm>>
      tpu.enqueue_indirect_dma source(%dma_start3A_41 : memref<10000x16xf32, #tpu.memory_space<hbm>>) target(%arg12 : memref<128x16xf32, #tpu.memory_space<vmem>>) offsets(%dma_start3A_38 : memref<128xi32, #tpu.memory_space<vmem>>) semaphore(%arg16 : memref<!tpu.dma_semaphore, #tpu.memory_space<semaphore_mem>>)
      %add3A_42 = arith.constant 3 : i32
      %add3A_43 = arith.addi %add3A_18, %add3A_42 : i32
      %dma_start3A_44 = arith.constant 0 : i32
      %dma_start3A_45 = tpu.memref_slice %arg8[%add3A_43, %dma_start3A_44] : memref<80x128xi32, #tpu.memory_space<vmem>> -> memref<1x128xi32, #tpu.memory_space<vmem>>
      %dma_start3A_46 = tpu.memref_squeeze %dma_start3A_45 : memref<1x128xi32, #tpu.memory_space<vmem>> -> memref<128xi32, #tpu.memory_space<vmem>>
      %dma_start3A_47 = arith.constant 0 : i32
      %dma_start3A_48 = arith.constant 0 : i32
      %dma_start3A_49 = tpu.memref_slice %arg3[%dma_start3A_47, %dma_start3A_48] : memref<10000x16xf32, #tpu.memory_space<hbm>> -> memref<10000x16xf32, #tpu.memory_space<hbm>>
      tpu.enqueue_indirect_dma source(%dma_start3A_49 : memref<10000x16xf32, #tpu.memory_space<hbm>>) target(%arg13 : memref<128x16xf32, #tpu.memory_space<vmem>>) offsets(%dma_start3A_46 : memref<128xi32, #tpu.memory_space<vmem>>) semaphore(%arg17 : memref<!tpu.dma_semaphore, #tpu.memory_space<semaphore_mem>>)
      %dma_wait3A = arith.constant 0 : i32
      %dma_wait3A_50 = tpu.memref_slice %arg8[%add3A_20, %dma_wait3A] : memref<80x128xi32, #tpu.memory_space<vmem>> -> memref<1x128xi32, #tpu.memory_space<vmem>>
      %dma_wait3A_51 = tpu.memref_squeeze %dma_wait3A_50 : memref<1x128xi32, #tpu.memory_space<vmem>> -> memref<128xi32, #tpu.memory_space<vmem>>
      %dma_wait3A_52 = arith.constant 0 : i32
      %dma_wait3A_53 = arith.constant 0 : i32
      %dma_wait3A_54 = tpu.memref_slice %arg3[%dma_wait3A_52, %dma_wait3A_53] : memref<10000x16xf32, #tpu.memory_space<hbm>> -> memref<10000x16xf32, #tpu.memory_space<hbm>>
      tpu.wait_indirect_dma semaphore(%arg14 : memref<!tpu.dma_semaphore, #tpu.memory_space<semaphore_mem>>) src(%dma_wait3A_54 : memref<10000x16xf32, #tpu.memory_space<hbm>>) dst(%arg10 : memref<128x16xf32, #tpu.memory_space<vmem>>)
      %dma_wait3A_55 = arith.constant 0 : i32
      %dma_wait3A_56 = tpu.memref_slice %arg8[%add3A_27, %dma_wait3A_55] : memref<80x128xi32, #tpu.memory_space<vmem>> -> memref<1x128xi32, #tpu.memory_space<vmem>>
      %dma_wait3A_57 = tpu.memref_squeeze %dma_wait3A_56 : memref<1x128xi32, #tpu.memory_space<vmem>> -> memref<128xi32, #tpu.memory_space<vmem>>
      %dma_wait3A_58 = arith.constant 0 : i32
      %dma_wait3A_59 = arith.constant 0 : i32
      %dma_wait3A_60 = tpu.memref_slice %arg3[%dma_wait3A_58, %dma_wait3A_59] : memref<10000x16xf32, #tpu.memory_space<hbm>> -> memref<10000x16xf32, #tpu.memory_space<hbm>>
      tpu.wait_indirect_dma semaphore(%arg15 : memref<!tpu.dma_semaphore, #tpu.memory_space<semaphore_mem>>) src(%dma_wait3A_60 : memref<10000x16xf32, #tpu.memory_space<hbm>>) dst(%arg11 : memref<128x16xf32, #tpu.memory_space<vmem>>)
      %dma_wait3A_61 = arith.constant 0 : i32
      %dma_wait3A_62 = tpu.memref_slice %arg8[%add3A_35, %dma_wait3A_61] : memref<80x128xi32, #tpu.memory_space<vmem>> -> memref<1x128xi32, #tpu.memory_space<vmem>>
      %dma_wait3A_63 = tpu.memref_squeeze %dma_wait3A_62 : memref<1x128xi32, #tpu.memory_space<vmem>> -> memref<128xi32, #tpu.memory_space<vmem>>
      %dma_wait3A_64 = arith.constant 0 : i32
      %dma_wait3A_65 = arith.constant 0 : i32
      %dma_wait3A_66 = tpu.memref_slice %arg3[%dma_wait3A_64, %dma_wait3A_65] : memref<10000x16xf32, #tpu.memory_space<hbm>> -> memref<10000x16xf32, #tpu.memory_space<hbm>>
      tpu.wait_indirect_dma semaphore(%arg16 : memref<!tpu.dma_semaphore, #tpu.memory_space<semaphore_mem>>) src(%dma_wait3A_66 : memref<10000x16xf32, #tpu.memory_space<hbm>>) dst(%arg12 : memref<128x16xf32, #tpu.memory_space<vmem>>)
      %dma_wait3A_67 = arith.constant 0 : i32
      %dma_wait3A_68 = tpu.memref_slice %arg8[%add3A_43, %dma_wait3A_67] : memref<80x128xi32, #tpu.memory_space<vmem>> -> memref<1x128xi32, #tpu.memory_space<vmem>>
      %dma_wait3A_69 = tpu.memref_squeeze %dma_wait3A_68 : memref<1x128xi32, #tpu.memory_space<vmem>> -> memref<128xi32, #tpu.memory_space<vmem>>
      %dma_wait3A_70 = arith.constant 0 : i32
      %dma_wait3A_71 = arith.constant 0 : i32
      %dma_wait3A_72 = tpu.memref_slice %arg3[%dma_wait3A_70, %dma_wait3A_71] : memref<10000x16xf32, #tpu.memory_space<hbm>> -> memref<10000x16xf32, #tpu.memory_space<hbm>>
      tpu.wait_indirect_dma semaphore(%arg17 : memref<!tpu.dma_semaphore, #tpu.memory_space<semaphore_mem>>) src(%dma_wait3A_72 : memref<10000x16xf32, #tpu.memory_space<hbm>>) dst(%arg13 : memref<128x16xf32, #tpu.memory_space<vmem>>)
    }
    %scan3A_8 = arith.constant 20 : i32
    %barrier3A_9 = arith.constant 0 : index
    tpu.barrier barrier_id(%barrier3A_9)
    %mul3A_10 = arith.constant 632 : i32
    %mul3A_11 = arith.muli %arg1, %mul3A_10 : i32
    %mul3A_12 = arith.constant 632 : i32
    %mul3A_13 = arith.muli %arg1, %mul3A_12 : i32
    "tpu.region"() ({
      %run_scoped3A = tpu.sem_alloc : memref<!tpu.dma_semaphore, #tpu.memory_space<semaphore_mem>>
      %dma_start3A = arith.constant 0 : i32
      %dma_start3A_14 = tpu.memref_slice %arg7[%arg0, %mul3A_13, %dma_start3A] : memref<2x10112x64xf32, #tpu.memory_space<hbm>> -> memref<1x632x64xf32, #tpu.memory_space<hbm>>
      %dma_start3A_15 = tpu.memref_squeeze %dma_start3A_14 : memref<1x632x64xf32, #tpu.memory_space<hbm>> -> memref<632x64xf32, #tpu.memory_space<hbm>>
      %dma_start3A_16 = arith.constant 0 : i32
      %dma_start3A_17 = tpu.memref_slice %arg22[%mul3A_11, %dma_start3A_16] : memref<10112x64xf32, #tpu.memory_space<vmem_shared>> -> memref<632x64xf32, #tpu.memory_space<vmem_shared>>
      tpu.enqueue_dma source(%dma_start3A_17 : memref<632x64xf32, #tpu.memory_space<vmem_shared>>) target(%dma_start3A_15 : memref<632x64xf32, #tpu.memory_space<hbm>>) target_semaphore(%run_scoped3A : memref<!tpu.dma_semaphore, #tpu.memory_space<semaphore_mem>>)
      %dma_wait3A = arith.constant 0 : i32
      %dma_wait3A_18 = tpu.memref_slice %arg7[%arg0, %mul3A_13, %dma_wait3A] : memref<2x10112x64xf32, #tpu.memory_space<hbm>> -> memref<1x632x64xf32, #tpu.memory_space<hbm>>
      %dma_wait3A_19 = tpu.memref_squeeze %dma_wait3A_18 : memref<1x632x64xf32, #tpu.memory_space<hbm>> -> memref<632x64xf32, #tpu.memory_space<hbm>>
      %dma_wait3A_20 = arith.constant 0 : i32
      %dma_wait3A_21 = tpu.memref_slice %arg22[%mul3A_11, %dma_wait3A_20] : memref<10112x64xf32, #tpu.memory_space<vmem_shared>> -> memref<632x64xf32, #tpu.memory_space<vmem_shared>>
      tpu.wait_dma2 semaphore(%run_scoped3A : memref<!tpu.dma_semaphore, #tpu.memory_space<semaphore_mem>>) src(%dma_wait3A_21 : memref<632x64xf32, #tpu.memory_space<vmem_shared>>) dst(%dma_wait3A_19 : memref<632x64xf32, #tpu.memory_space<hbm>>)
      tpu.yield
    }) : () -> ()
    return
  }
}

#map = affine_map<(d0, d1) -> (0, 0)>
#map1 = affine_map<(d0, d1) -> (0, 0, 0)>
module attributes {stable_mosaic.version = 14 : i64} {
  func.func @_sc_propagate(%arg0: i32, %arg1: i32, %arg2: memref<10000x64xf32, #tpu.memory_space<hbm>>, %arg3: memref<10000x64xf32, #tpu.memory_space<hbm>>, %arg4: memref<32x80x128xi32, #tpu.memory_space<hbm>>, %arg5: memref<32x80x128xi32, #tpu.memory_space<hbm>>, %arg6: memref<10112x64xf32, #tpu.memory_space<hbm>>, %arg7: memref<2x10112x64xf32, #tpu.memory_space<hbm>>, %arg8: memref<80x128xi32, #tpu.memory_space<vmem>>, %arg9: memref<80x128xi32, #tpu.memory_space<vmem>>, %arg10: memref<128x64xf32, #tpu.memory_space<vmem>>, %arg11: memref<128x64xf32, #tpu.memory_space<vmem>>, %arg12: memref<128x64xf32, #tpu.memory_space<vmem>>, %arg13: memref<128x64xf32, #tpu.memory_space<vmem>>, %arg14: memref<!tpu.dma_semaphore, #tpu.memory_space<semaphore_mem>>, %arg15: memref<!tpu.dma_semaphore, #tpu.memory_space<semaphore_mem>>, %arg16: memref<!tpu.dma_semaphore, #tpu.memory_space<semaphore_mem>>, %arg17: memref<!tpu.dma_semaphore, #tpu.memory_space<semaphore_mem>>, %arg18: memref<!tpu.dma_semaphore, #tpu.memory_space<semaphore_mem>>, %arg19: memref<!tpu.dma_semaphore, #tpu.memory_space<semaphore_mem>>, %arg20: memref<!tpu.dma_semaphore, #tpu.memory_space<semaphore_mem>>, %arg21: memref<!tpu.dma_semaphore, #tpu.memory_space<semaphore_mem>>, %arg22: memref<10112x64xf32, #tpu.memory_space<vmem_shared>>) attributes {dimension_semantics = [#tpu.dimension_semantics<core_parallel>, #tpu.dimension_semantics<subcore_parallel>], iteration_bounds = array<i64: 2, 16>, scalar_prefetch = 0 : i64, scratch_operands = 15 : i64, tpu.core_type = #tpu.core_type<sc_vector_subcore>, window_params = [{transform_indices = #map}, {transform_indices = #map}, {transform_indices = #map1}, {transform_indices = #map1}, {transform_indices = #map}, {transform_indices = #map1}]} {
    %mul3A = arith.constant 16 : i32
    %mul3A_0 = arith.muli %arg0, %mul3A : i32
    %add3A = arith.addi %mul3A_0, %arg1 : i32
    %mul3A_1 = arith.constant 632 : i32
    %mul3A_2 = arith.muli %arg1, %mul3A_1 : i32
    %mul3A_3 = arith.constant 632 : i32
    %mul3A_4 = arith.muli %arg1, %mul3A_3 : i32
    "tpu.region"() ({
      %run_scoped3A = tpu.sem_alloc : memref<!tpu.dma_semaphore, #tpu.memory_space<semaphore_mem>>
      %dma_start3A = arith.constant 0 : i32
      %dma_start3A_14 = tpu.memref_slice %arg22[%mul3A_4, %dma_start3A] : memref<10112x64xf32, #tpu.memory_space<vmem_shared>> -> memref<632x64xf32, #tpu.memory_space<vmem_shared>>
      %dma_start3A_15 = arith.constant 0 : i32
      %dma_start3A_16 = tpu.memref_slice %arg6[%mul3A_2, %dma_start3A_15] : memref<10112x64xf32, #tpu.memory_space<hbm>> -> memref<632x64xf32, #tpu.memory_space<hbm>>
      tpu.enqueue_dma source(%dma_start3A_16 : memref<632x64xf32, #tpu.memory_space<hbm>>) target(%dma_start3A_14 : memref<632x64xf32, #tpu.memory_space<vmem_shared>>) target_semaphore(%run_scoped3A : memref<!tpu.dma_semaphore, #tpu.memory_space<semaphore_mem>>)
      %dma_wait3A = arith.constant 0 : i32
      %dma_wait3A_17 = tpu.memref_slice %arg22[%mul3A_4, %dma_wait3A] : memref<10112x64xf32, #tpu.memory_space<vmem_shared>> -> memref<632x64xf32, #tpu.memory_space<vmem_shared>>
      %dma_wait3A_18 = arith.constant 0 : i32
      %dma_wait3A_19 = tpu.memref_slice %arg6[%mul3A_2, %dma_wait3A_18] : memref<10112x64xf32, #tpu.memory_space<hbm>> -> memref<632x64xf32, #tpu.memory_space<hbm>>
      tpu.wait_dma2 semaphore(%run_scoped3A : memref<!tpu.dma_semaphore, #tpu.memory_space<semaphore_mem>>) src(%dma_wait3A_19 : memref<632x64xf32, #tpu.memory_space<hbm>>) dst(%dma_wait3A_17 : memref<632x64xf32, #tpu.memory_space<vmem_shared>>)
      tpu.yield
    }) : () -> ()
    "tpu.region"() ({
      %run_scoped3A = tpu.sem_alloc : memref<!tpu.dma_semaphore, #tpu.memory_space<semaphore_mem>>
      %dma_start3A = arith.constant 0 : i32
      %dma_start3A_14 = arith.constant 0 : i32
      %dma_start3A_15 = tpu.memref_slice %arg4[%add3A, %dma_start3A, %dma_start3A_14] : memref<32x80x128xi32, #tpu.memory_space<hbm>> -> memref<1x80x128xi32, #tpu.memory_space<hbm>>
      %dma_start3A_16 = tpu.memref_squeeze %dma_start3A_15 : memref<1x80x128xi32, #tpu.memory_space<hbm>> -> memref<80x128xi32, #tpu.memory_space<hbm>>
      %dma_start3A_17 = arith.constant 0 : i32
      %dma_start3A_18 = arith.constant 0 : i32
      %dma_start3A_19 = tpu.memref_slice %arg4[%add3A, %dma_start3A_17, %dma_start3A_18] : memref<32x80x128xi32, #tpu.memory_space<hbm>> -> memref<1x80x128xi32, #tpu.memory_space<hbm>>
      %dma_start3A_20 = tpu.memref_squeeze %dma_start3A_19 : memref<1x80x128xi32, #tpu.memory_space<hbm>> -> memref<80x128xi32, #tpu.memory_space<hbm>>
      tpu.enqueue_dma source(%dma_start3A_20 : memref<80x128xi32, #tpu.memory_space<hbm>>) target(%arg8 : memref<80x128xi32, #tpu.memory_space<vmem>>) target_semaphore(%run_scoped3A : memref<!tpu.dma_semaphore, #tpu.memory_space<semaphore_mem>>)
      %dma_wait3A = arith.constant 0 : i32
      %dma_wait3A_21 = arith.constant 0 : i32
      %dma_wait3A_22 = tpu.memref_slice %arg4[%add3A, %dma_wait3A, %dma_wait3A_21] : memref<32x80x128xi32, #tpu.memory_space<hbm>> -> memref<1x80x128xi32, #tpu.memory_space<hbm>>
      %dma_wait3A_23 = tpu.memref_squeeze %dma_wait3A_22 : memref<1x80x128xi32, #tpu.memory_space<hbm>> -> memref<80x128xi32, #tpu.memory_space<hbm>>
      %dma_wait3A_24 = arith.constant 0 : i32
      %dma_wait3A_25 = arith.constant 0 : i32
      %dma_wait3A_26 = tpu.memref_slice %arg4[%add3A, %dma_wait3A_24, %dma_wait3A_25] : memref<32x80x128xi32, #tpu.memory_space<hbm>> -> memref<1x80x128xi32, #tpu.memory_space<hbm>>
      %dma_wait3A_27 = tpu.memref_squeeze %dma_wait3A_26 : memref<1x80x128xi32, #tpu.memory_space<hbm>> -> memref<80x128xi32, #tpu.memory_space<hbm>>
      tpu.wait_dma2 semaphore(%run_scoped3A : memref<!tpu.dma_semaphore, #tpu.memory_space<semaphore_mem>>) src(%dma_wait3A_27 : memref<80x128xi32, #tpu.memory_space<hbm>>) dst(%arg8 : memref<80x128xi32, #tpu.memory_space<vmem>>)
      tpu.yield
    }) : () -> ()
    "tpu.region"() ({
      %run_scoped3A = tpu.sem_alloc : memref<!tpu.dma_semaphore, #tpu.memory_space<semaphore_mem>>
      %dma_start3A = arith.constant 0 : i32
      %dma_start3A_14 = arith.constant 0 : i32
      %dma_start3A_15 = tpu.memref_slice %arg5[%add3A, %dma_start3A, %dma_start3A_14] : memref<32x80x128xi32, #tpu.memory_space<hbm>> -> memref<1x80x128xi32, #tpu.memory_space<hbm>>
      %dma_start3A_16 = tpu.memref_squeeze %dma_start3A_15 : memref<1x80x128xi32, #tpu.memory_space<hbm>> -> memref<80x128xi32, #tpu.memory_space<hbm>>
      %dma_start3A_17 = arith.constant 0 : i32
      %dma_start3A_18 = arith.constant 0 : i32
      %dma_start3A_19 = tpu.memref_slice %arg5[%add3A, %dma_start3A_17, %dma_start3A_18] : memref<32x80x128xi32, #tpu.memory_space<hbm>> -> memref<1x80x128xi32, #tpu.memory_space<hbm>>
      %dma_start3A_20 = tpu.memref_squeeze %dma_start3A_19 : memref<1x80x128xi32, #tpu.memory_space<hbm>> -> memref<80x128xi32, #tpu.memory_space<hbm>>
      tpu.enqueue_dma source(%dma_start3A_20 : memref<80x128xi32, #tpu.memory_space<hbm>>) target(%arg9 : memref<80x128xi32, #tpu.memory_space<vmem>>) target_semaphore(%run_scoped3A : memref<!tpu.dma_semaphore, #tpu.memory_space<semaphore_mem>>)
      %dma_wait3A = arith.constant 0 : i32
      %dma_wait3A_21 = arith.constant 0 : i32
      %dma_wait3A_22 = tpu.memref_slice %arg5[%add3A, %dma_wait3A, %dma_wait3A_21] : memref<32x80x128xi32, #tpu.memory_space<hbm>> -> memref<1x80x128xi32, #tpu.memory_space<hbm>>
      %dma_wait3A_23 = tpu.memref_squeeze %dma_wait3A_22 : memref<1x80x128xi32, #tpu.memory_space<hbm>> -> memref<80x128xi32, #tpu.memory_space<hbm>>
      %dma_wait3A_24 = arith.constant 0 : i32
      %dma_wait3A_25 = arith.constant 0 : i32
      %dma_wait3A_26 = tpu.memref_slice %arg5[%add3A, %dma_wait3A_24, %dma_wait3A_25] : memref<32x80x128xi32, #tpu.memory_space<hbm>> -> memref<1x80x128xi32, #tpu.memory_space<hbm>>
      %dma_wait3A_27 = tpu.memref_squeeze %dma_wait3A_26 : memref<1x80x128xi32, #tpu.memory_space<hbm>> -> memref<80x128xi32, #tpu.memory_space<hbm>>
      tpu.wait_dma2 semaphore(%run_scoped3A : memref<!tpu.dma_semaphore, #tpu.memory_space<semaphore_mem>>) src(%dma_wait3A_27 : memref<80x128xi32, #tpu.memory_space<hbm>>) dst(%arg9 : memref<80x128xi32, #tpu.memory_space<vmem>>)
      tpu.yield
    }) : () -> ()
    %barrier3A = arith.constant 0 : index
    tpu.barrier barrier_id(%barrier3A)
    %scan3A = arith.constant 0 : i32
    %scan3A_5 = arith.constant 20 : i32
    %scan3A_6 = arith.addi %scan3A, %scan3A_5 : i32
    %scan3A_7 = arith.constant 1 : i32
    scf.for %scan3A_14 = %scan3A to %scan3A_6 step %scan3A_7  : i32 {
      %mul3A_15 = arith.constant 4 : i32
      %mul3A_16 = arith.muli %scan3A_14, %mul3A_15 : i32
      %add3A_17 = arith.constant 0 : i32
      %add3A_18 = arith.addi %add3A_17, %mul3A_16 : i32
      %add3A_19 = arith.constant 0 : i32
      %add3A_20 = arith.addi %add3A_18, %add3A_19 : i32
      %dma_start3A = arith.constant 0 : i32
      %dma_start3A_21 = tpu.memref_slice %arg8[%add3A_20, %dma_start3A] : memref<80x128xi32, #tpu.memory_space<vmem>> -> memref<1x128xi32, #tpu.memory_space<vmem>>
      %dma_start3A_22 = tpu.memref_squeeze %dma_start3A_21 : memref<1x128xi32, #tpu.memory_space<vmem>> -> memref<128xi32, #tpu.memory_space<vmem>>
      %dma_start3A_23 = arith.constant 0 : i32
      %dma_start3A_24 = arith.constant 0 : i32
      %dma_start3A_25 = tpu.memref_slice %arg3[%dma_start3A_23, %dma_start3A_24] : memref<10000x64xf32, #tpu.memory_space<hbm>> -> memref<10000x64xf32, #tpu.memory_space<hbm>>
      tpu.enqueue_indirect_dma source(%dma_start3A_25 : memref<10000x64xf32, #tpu.memory_space<hbm>>) target(%arg10 : memref<128x64xf32, #tpu.memory_space<vmem>>) offsets(%dma_start3A_22 : memref<128xi32, #tpu.memory_space<vmem>>) semaphore(%arg14 : memref<!tpu.dma_semaphore, #tpu.memory_space<semaphore_mem>>)
      %add3A_26 = arith.constant 1 : i32
      %add3A_27 = arith.addi %add3A_18, %add3A_26 : i32
      %dma_start3A_28 = arith.constant 0 : i32
      %dma_start3A_29 = tpu.memref_slice %arg8[%add3A_27, %dma_start3A_28] : memref<80x128xi32, #tpu.memory_space<vmem>> -> memref<1x128xi32, #tpu.memory_space<vmem>>
      %dma_start3A_30 = tpu.memref_squeeze %dma_start3A_29 : memref<1x128xi32, #tpu.memory_space<vmem>> -> memref<128xi32, #tpu.memory_space<vmem>>
      %dma_start3A_31 = arith.constant 0 : i32
      %dma_start3A_32 = arith.constant 0 : i32
      %dma_start3A_33 = tpu.memref_slice %arg3[%dma_start3A_31, %dma_start3A_32] : memref<10000x64xf32, #tpu.memory_space<hbm>> -> memref<10000x64xf32, #tpu.memory_space<hbm>>
      tpu.enqueue_indirect_dma source(%dma_start3A_33 : memref<10000x64xf32, #tpu.memory_space<hbm>>) target(%arg11 : memref<128x64xf32, #tpu.memory_space<vmem>>) offsets(%dma_start3A_30 : memref<128xi32, #tpu.memory_space<vmem>>) semaphore(%arg15 : memref<!tpu.dma_semaphore, #tpu.memory_space<semaphore_mem>>)
      %add3A_34 = arith.constant 2 : i32
      %add3A_35 = arith.addi %add3A_18, %add3A_34 : i32
      %dma_start3A_36 = arith.constant 0 : i32
      %dma_start3A_37 = tpu.memref_slice %arg8[%add3A_35, %dma_start3A_36] : memref<80x128xi32, #tpu.memory_space<vmem>> -> memref<1x128xi32, #tpu.memory_space<vmem>>
      %dma_start3A_38 = tpu.memref_squeeze %dma_start3A_37 : memref<1x128xi32, #tpu.memory_space<vmem>> -> memref<128xi32, #tpu.memory_space<vmem>>
      %dma_start3A_39 = arith.constant 0 : i32
      %dma_start3A_40 = arith.constant 0 : i32
      %dma_start3A_41 = tpu.memref_slice %arg3[%dma_start3A_39, %dma_start3A_40] : memref<10000x64xf32, #tpu.memory_space<hbm>> -> memref<10000x64xf32, #tpu.memory_space<hbm>>
      tpu.enqueue_indirect_dma source(%dma_start3A_41 : memref<10000x64xf32, #tpu.memory_space<hbm>>) target(%arg12 : memref<128x64xf32, #tpu.memory_space<vmem>>) offsets(%dma_start3A_38 : memref<128xi32, #tpu.memory_space<vmem>>) semaphore(%arg16 : memref<!tpu.dma_semaphore, #tpu.memory_space<semaphore_mem>>)
      %add3A_42 = arith.constant 3 : i32
      %add3A_43 = arith.addi %add3A_18, %add3A_42 : i32
      %dma_start3A_44 = arith.constant 0 : i32
      %dma_start3A_45 = tpu.memref_slice %arg8[%add3A_43, %dma_start3A_44] : memref<80x128xi32, #tpu.memory_space<vmem>> -> memref<1x128xi32, #tpu.memory_space<vmem>>
      %dma_start3A_46 = tpu.memref_squeeze %dma_start3A_45 : memref<1x128xi32, #tpu.memory_space<vmem>> -> memref<128xi32, #tpu.memory_space<vmem>>
      %dma_start3A_47 = arith.constant 0 : i32
      %dma_start3A_48 = arith.constant 0 : i32
      %dma_start3A_49 = tpu.memref_slice %arg3[%dma_start3A_47, %dma_start3A_48] : memref<10000x64xf32, #tpu.memory_space<hbm>> -> memref<10000x64xf32, #tpu.memory_space<hbm>>
      tpu.enqueue_indirect_dma source(%dma_start3A_49 : memref<10000x64xf32, #tpu.memory_space<hbm>>) target(%arg13 : memref<128x64xf32, #tpu.memory_space<vmem>>) offsets(%dma_start3A_46 : memref<128xi32, #tpu.memory_space<vmem>>) semaphore(%arg17 : memref<!tpu.dma_semaphore, #tpu.memory_space<semaphore_mem>>)
      %dma_wait3A = arith.constant 0 : i32
      %dma_wait3A_50 = tpu.memref_slice %arg8[%add3A_20, %dma_wait3A] : memref<80x128xi32, #tpu.memory_space<vmem>> -> memref<1x128xi32, #tpu.memory_space<vmem>>
      %dma_wait3A_51 = tpu.memref_squeeze %dma_wait3A_50 : memref<1x128xi32, #tpu.memory_space<vmem>> -> memref<128xi32, #tpu.memory_space<vmem>>
      %dma_wait3A_52 = arith.constant 0 : i32
      %dma_wait3A_53 = arith.constant 0 : i32
      %dma_wait3A_54 = tpu.memref_slice %arg3[%dma_wait3A_52, %dma_wait3A_53] : memref<10000x64xf32, #tpu.memory_space<hbm>> -> memref<10000x64xf32, #tpu.memory_space<hbm>>
      tpu.wait_indirect_dma semaphore(%arg14 : memref<!tpu.dma_semaphore, #tpu.memory_space<semaphore_mem>>) src(%dma_wait3A_54 : memref<10000x64xf32, #tpu.memory_space<hbm>>) dst(%arg10 : memref<128x64xf32, #tpu.memory_space<vmem>>)
      %dma_wait3A_55 = arith.constant 0 : i32
      %dma_wait3A_56 = tpu.memref_slice %arg8[%add3A_27, %dma_wait3A_55] : memref<80x128xi32, #tpu.memory_space<vmem>> -> memref<1x128xi32, #tpu.memory_space<vmem>>
      %dma_wait3A_57 = tpu.memref_squeeze %dma_wait3A_56 : memref<1x128xi32, #tpu.memory_space<vmem>> -> memref<128xi32, #tpu.memory_space<vmem>>
      %dma_wait3A_58 = arith.constant 0 : i32
      %dma_wait3A_59 = arith.constant 0 : i32
      %dma_wait3A_60 = tpu.memref_slice %arg3[%dma_wait3A_58, %dma_wait3A_59] : memref<10000x64xf32, #tpu.memory_space<hbm>> -> memref<10000x64xf32, #tpu.memory_space<hbm>>
      tpu.wait_indirect_dma semaphore(%arg15 : memref<!tpu.dma_semaphore, #tpu.memory_space<semaphore_mem>>) src(%dma_wait3A_60 : memref<10000x64xf32, #tpu.memory_space<hbm>>) dst(%arg11 : memref<128x64xf32, #tpu.memory_space<vmem>>)
      %dma_wait3A_61 = arith.constant 0 : i32
      %dma_wait3A_62 = tpu.memref_slice %arg8[%add3A_35, %dma_wait3A_61] : memref<80x128xi32, #tpu.memory_space<vmem>> -> memref<1x128xi32, #tpu.memory_space<vmem>>
      %dma_wait3A_63 = tpu.memref_squeeze %dma_wait3A_62 : memref<1x128xi32, #tpu.memory_space<vmem>> -> memref<128xi32, #tpu.memory_space<vmem>>
      %dma_wait3A_64 = arith.constant 0 : i32
      %dma_wait3A_65 = arith.constant 0 : i32
      %dma_wait3A_66 = tpu.memref_slice %arg3[%dma_wait3A_64, %dma_wait3A_65] : memref<10000x64xf32, #tpu.memory_space<hbm>> -> memref<10000x64xf32, #tpu.memory_space<hbm>>
      tpu.wait_indirect_dma semaphore(%arg16 : memref<!tpu.dma_semaphore, #tpu.memory_space<semaphore_mem>>) src(%dma_wait3A_66 : memref<10000x64xf32, #tpu.memory_space<hbm>>) dst(%arg12 : memref<128x64xf32, #tpu.memory_space<vmem>>)
      %dma_wait3A_67 = arith.constant 0 : i32
      %dma_wait3A_68 = tpu.memref_slice %arg8[%add3A_43, %dma_wait3A_67] : memref<80x128xi32, #tpu.memory_space<vmem>> -> memref<1x128xi32, #tpu.memory_space<vmem>>
      %dma_wait3A_69 = tpu.memref_squeeze %dma_wait3A_68 : memref<1x128xi32, #tpu.memory_space<vmem>> -> memref<128xi32, #tpu.memory_space<vmem>>
      %dma_wait3A_70 = arith.constant 0 : i32
      %dma_wait3A_71 = arith.constant 0 : i32
      %dma_wait3A_72 = tpu.memref_slice %arg3[%dma_wait3A_70, %dma_wait3A_71] : memref<10000x64xf32, #tpu.memory_space<hbm>> -> memref<10000x64xf32, #tpu.memory_space<hbm>>
      tpu.wait_indirect_dma semaphore(%arg17 : memref<!tpu.dma_semaphore, #tpu.memory_space<semaphore_mem>>) src(%dma_wait3A_72 : memref<10000x64xf32, #tpu.memory_space<hbm>>) dst(%arg13 : memref<128x64xf32, #tpu.memory_space<vmem>>)
    }
    %scan3A_8 = arith.constant 20 : i32
    %barrier3A_9 = arith.constant 0 : index
    tpu.barrier barrier_id(%barrier3A_9)
    %mul3A_10 = arith.constant 632 : i32
    %mul3A_11 = arith.muli %arg1, %mul3A_10 : i32
    %mul3A_12 = arith.constant 632 : i32
    %mul3A_13 = arith.muli %arg1, %mul3A_12 : i32
    "tpu.region"() ({
      %run_scoped3A = tpu.sem_alloc : memref<!tpu.dma_semaphore, #tpu.memory_space<semaphore_mem>>
      %dma_start3A = arith.constant 0 : i32
      %dma_start3A_14 = tpu.memref_slice %arg7[%arg0, %mul3A_13, %dma_start3A] : memref<2x10112x64xf32, #tpu.memory_space<hbm>> -> memref<1x632x64xf32, #tpu.memory_space<hbm>>
      %dma_start3A_15 = tpu.memref_squeeze %dma_start3A_14 : memref<1x632x64xf32, #tpu.memory_space<hbm>> -> memref<632x64xf32, #tpu.memory_space<hbm>>
      %dma_start3A_16 = arith.constant 0 : i32
      %dma_start3A_17 = tpu.memref_slice %arg22[%mul3A_11, %dma_start3A_16] : memref<10112x64xf32, #tpu.memory_space<vmem_shared>> -> memref<632x64xf32, #tpu.memory_space<vmem_shared>>
      tpu.enqueue_dma source(%dma_start3A_17 : memref<632x64xf32, #tpu.memory_space<vmem_shared>>) target(%dma_start3A_15 : memref<632x64xf32, #tpu.memory_space<hbm>>) target_semaphore(%run_scoped3A : memref<!tpu.dma_semaphore, #tpu.memory_space<semaphore_mem>>)
      %dma_wait3A = arith.constant 0 : i32
      %dma_wait3A_18 = tpu.memref_slice %arg7[%arg0, %mul3A_13, %dma_wait3A] : memref<2x10112x64xf32, #tpu.memory_space<hbm>> -> memref<1x632x64xf32, #tpu.memory_space<hbm>>
      %dma_wait3A_19 = tpu.memref_squeeze %dma_wait3A_18 : memref<1x632x64xf32, #tpu.memory_space<hbm>> -> memref<632x64xf32, #tpu.memory_space<hbm>>
      %dma_wait3A_20 = arith.constant 0 : i32
      %dma_wait3A_21 = tpu.memref_slice %arg22[%mul3A_11, %dma_wait3A_20] : memref<10112x64xf32, #tpu.memory_space<vmem_shared>> -> memref<632x64xf32, #tpu.memory_space<vmem_shared>>
      tpu.wait_dma2 semaphore(%run_scoped3A : memref<!tpu.dma_semaphore, #tpu.memory_space<semaphore_mem>>) src(%dma_wait3A_21 : memref<632x64xf32, #tpu.memory_space<vmem_shared>>) dst(%dma_wait3A_19 : memref<632x64xf32, #tpu.memory_space<hbm>>)
      tpu.yield
    }) : () -> ()
    return
  }
}

#map = affine_map<(d0, d1) -> (0, 0, 0)>
#map1 = affine_map<(d0, d1) -> (0, 0)>
module attributes {stable_mosaic.version = 14 : i64} {
  func.func @_sc_degree(%arg0: i32, %arg1: i32, %arg2: memref<32x80x128xi32, #tpu.memory_space<hbm>>, %arg3: memref<128x16xf32, #tpu.memory_space<hbm>>, %arg4: memref<10112x16xf32, #tpu.memory_space<hbm>>, %arg5: memref<2x10112x16xf32, #tpu.memory_space<hbm>>, %arg6: memref<80x128xi32, #tpu.memory_space<vmem>>, %arg7: memref<128x16xf32, #tpu.memory_space<vmem>>, %arg8: memref<10112x16xf32, #tpu.memory_space<vmem_shared>>) attributes {dimension_semantics = [#tpu.dimension_semantics<core_parallel>, #tpu.dimension_semantics<subcore_parallel>], iteration_bounds = array<i64: 2, 16>, scalar_prefetch = 0 : i64, scratch_operands = 3 : i64, tpu.core_type = #tpu.core_type<sc_vector_subcore>, window_params = [{transform_indices = #map}, {transform_indices = #map1}, {transform_indices = #map1}, {transform_indices = #map}]} {
    %mul3A = arith.constant 16 : i32
    %mul3A_0 = arith.muli %arg0, %mul3A : i32
    %add3A = arith.addi %mul3A_0, %arg1 : i32
    %mul3A_1 = arith.constant 632 : i32
    %mul3A_2 = arith.muli %arg1, %mul3A_1 : i32
    %mul3A_3 = arith.constant 632 : i32
    %mul3A_4 = arith.muli %arg1, %mul3A_3 : i32
    "tpu.region"() ({
      %run_scoped3A = tpu.sem_alloc : memref<!tpu.dma_semaphore, #tpu.memory_space<semaphore_mem>>
      %dma_start3A = arith.constant 0 : i32
      %dma_start3A_14 = tpu.memref_slice %arg8[%mul3A_4, %dma_start3A] : memref<10112x16xf32, #tpu.memory_space<vmem_shared>> -> memref<632x16xf32, #tpu.memory_space<vmem_shared>>
      %dma_start3A_15 = arith.constant 0 : i32
      %dma_start3A_16 = tpu.memref_slice %arg4[%mul3A_2, %dma_start3A_15] : memref<10112x16xf32, #tpu.memory_space<hbm>> -> memref<632x16xf32, #tpu.memory_space<hbm>>
      tpu.enqueue_dma source(%dma_start3A_16 : memref<632x16xf32, #tpu.memory_space<hbm>>) target(%dma_start3A_14 : memref<632x16xf32, #tpu.memory_space<vmem_shared>>) target_semaphore(%run_scoped3A : memref<!tpu.dma_semaphore, #tpu.memory_space<semaphore_mem>>)
      %dma_wait3A = arith.constant 0 : i32
      %dma_wait3A_17 = tpu.memref_slice %arg8[%mul3A_4, %dma_wait3A] : memref<10112x16xf32, #tpu.memory_space<vmem_shared>> -> memref<632x16xf32, #tpu.memory_space<vmem_shared>>
      %dma_wait3A_18 = arith.constant 0 : i32
      %dma_wait3A_19 = tpu.memref_slice %arg4[%mul3A_2, %dma_wait3A_18] : memref<10112x16xf32, #tpu.memory_space<hbm>> -> memref<632x16xf32, #tpu.memory_space<hbm>>
      tpu.wait_dma2 semaphore(%run_scoped3A : memref<!tpu.dma_semaphore, #tpu.memory_space<semaphore_mem>>) src(%dma_wait3A_19 : memref<632x16xf32, #tpu.memory_space<hbm>>) dst(%dma_wait3A_17 : memref<632x16xf32, #tpu.memory_space<vmem_shared>>)
      tpu.yield
    }) : () -> ()
    "tpu.region"() ({
      %run_scoped3A = tpu.sem_alloc : memref<!tpu.dma_semaphore, #tpu.memory_space<semaphore_mem>>
      %dma_start3A = arith.constant 0 : i32
      %dma_start3A_14 = arith.constant 0 : i32
      %dma_start3A_15 = tpu.memref_slice %arg2[%add3A, %dma_start3A, %dma_start3A_14] : memref<32x80x128xi32, #tpu.memory_space<hbm>> -> memref<1x80x128xi32, #tpu.memory_space<hbm>>
      %dma_start3A_16 = tpu.memref_squeeze %dma_start3A_15 : memref<1x80x128xi32, #tpu.memory_space<hbm>> -> memref<80x128xi32, #tpu.memory_space<hbm>>
      %dma_start3A_17 = arith.constant 0 : i32
      %dma_start3A_18 = arith.constant 0 : i32
      %dma_start3A_19 = tpu.memref_slice %arg2[%add3A, %dma_start3A_17, %dma_start3A_18] : memref<32x80x128xi32, #tpu.memory_space<hbm>> -> memref<1x80x128xi32, #tpu.memory_space<hbm>>
      %dma_start3A_20 = tpu.memref_squeeze %dma_start3A_19 : memref<1x80x128xi32, #tpu.memory_space<hbm>> -> memref<80x128xi32, #tpu.memory_space<hbm>>
      tpu.enqueue_dma source(%dma_start3A_20 : memref<80x128xi32, #tpu.memory_space<hbm>>) target(%arg6 : memref<80x128xi32, #tpu.memory_space<vmem>>) target_semaphore(%run_scoped3A : memref<!tpu.dma_semaphore, #tpu.memory_space<semaphore_mem>>)
      %dma_wait3A = arith.constant 0 : i32
      %dma_wait3A_21 = arith.constant 0 : i32
      %dma_wait3A_22 = tpu.memref_slice %arg2[%add3A, %dma_wait3A, %dma_wait3A_21] : memref<32x80x128xi32, #tpu.memory_space<hbm>> -> memref<1x80x128xi32, #tpu.memory_space<hbm>>
      %dma_wait3A_23 = tpu.memref_squeeze %dma_wait3A_22 : memref<1x80x128xi32, #tpu.memory_space<hbm>> -> memref<80x128xi32, #tpu.memory_space<hbm>>
      %dma_wait3A_24 = arith.constant 0 : i32
      %dma_wait3A_25 = arith.constant 0 : i32
      %dma_wait3A_26 = tpu.memref_slice %arg2[%add3A, %dma_wait3A_24, %dma_wait3A_25] : memref<32x80x128xi32, #tpu.memory_space<hbm>> -> memref<1x80x128xi32, #tpu.memory_space<hbm>>
      %dma_wait3A_27 = tpu.memref_squeeze %dma_wait3A_26 : memref<1x80x128xi32, #tpu.memory_space<hbm>> -> memref<80x128xi32, #tpu.memory_space<hbm>>
      tpu.wait_dma2 semaphore(%run_scoped3A : memref<!tpu.dma_semaphore, #tpu.memory_space<semaphore_mem>>) src(%dma_wait3A_27 : memref<80x128xi32, #tpu.memory_space<hbm>>) dst(%arg6 : memref<80x128xi32, #tpu.memory_space<vmem>>)
      tpu.yield
    }) : () -> ()
    "tpu.region"() ({
      %run_scoped3A = tpu.sem_alloc : memref<!tpu.dma_semaphore, #tpu.memory_space<semaphore_mem>>
      tpu.enqueue_dma source(%arg3 : memref<128x16xf32, #tpu.memory_space<hbm>>) target(%arg7 : memref<128x16xf32, #tpu.memory_space<vmem>>) target_semaphore(%run_scoped3A : memref<!tpu.dma_semaphore, #tpu.memory_space<semaphore_mem>>)
      tpu.wait_dma2 semaphore(%run_scoped3A : memref<!tpu.dma_semaphore, #tpu.memory_space<semaphore_mem>>) src(%arg3 : memref<128x16xf32, #tpu.memory_space<hbm>>) dst(%arg7 : memref<128x16xf32, #tpu.memory_space<vmem>>)
      tpu.yield
    }) : () -> ()
    %barrier3A = arith.constant 0 : index
    tpu.barrier barrier_id(%barrier3A)
    %scan3A = arith.constant 0 : i32
    %scan3A_5 = arith.constant 80 : i32
    %scan3A_6 = arith.addi %scan3A, %scan3A_5 : i32
    %scan3A_7 = arith.constant 1 : i32
    scf.for %scan3A_14 = %scan3A to %scan3A_6 step %scan3A_7  : i32 {
      %mul3A_15 = arith.constant 1 : i32
      %mul3A_16 = arith.muli %scan3A_14, %mul3A_15 : i32
      %add3A_17 = arith.constant 0 : i32
      %add3A_18 = arith.addi %add3A_17, %mul3A_16 : i32
      "tpu.region"() ({
        %run_scoped3A = tpu.sem_alloc : memref<!tpu.dma_semaphore, #tpu.memory_space<semaphore_mem>>
        %dma_start3A = arith.constant 0 : i32
        %dma_start3A_19 = tpu.memref_slice %arg6[%add3A_18, %dma_start3A] : memref<80x128xi32, #tpu.memory_space<vmem>> -> memref<1x128xi32, #tpu.memory_space<vmem>>
        %dma_start3A_20 = tpu.memref_squeeze %dma_start3A_19 : memref<1x128xi32, #tpu.memory_space<vmem>> -> memref<128xi32, #tpu.memory_space<vmem>>
        %dma_start3A_21 = arith.constant 0 : i32
        %dma_start3A_22 = arith.constant 0 : i32
        %dma_start3A_23 = tpu.memref_slice %arg8[%dma_start3A_21, %dma_start3A_22] : memref<10112x16xf32, #tpu.memory_space<vmem_shared>> -> memref<10112x16xf32, #tpu.memory_space<vmem_shared>>
        tpu.enqueue_indirect_dma source(%arg7 : memref<128x16xf32, #tpu.memory_space<vmem>>) target(%dma_start3A_23 : memref<10112x16xf32, #tpu.memory_space<vmem_shared>>) offsets(%dma_start3A_20 : memref<128xi32, #tpu.memory_space<vmem>>) semaphore(%run_scoped3A : memref<!tpu.dma_semaphore, #tpu.memory_space<semaphore_mem>>) {add = true}
        %dma_wait3A = arith.constant 0 : i32
        %dma_wait3A_24 = tpu.memref_slice %arg6[%add3A_18, %dma_wait3A] : memref<80x128xi32, #tpu.memory_space<vmem>> -> memref<1x128xi32, #tpu.memory_space<vmem>>
        %dma_wait3A_25 = tpu.memref_squeeze %dma_wait3A_24 : memref<1x128xi32, #tpu.memory_space<vmem>> -> memref<128xi32, #tpu.memory_space<vmem>>
        %dma_wait3A_26 = arith.constant 0 : i32
        %dma_wait3A_27 = arith.constant 0 : i32
        %dma_wait3A_28 = tpu.memref_slice %arg8[%dma_wait3A_26, %dma_wait3A_27] : memref<10112x16xf32, #tpu.memory_space<vmem_shared>> -> memref<10112x16xf32, #tpu.memory_space<vmem_shared>>
        tpu.wait_indirect_dma semaphore(%run_scoped3A : memref<!tpu.dma_semaphore, #tpu.memory_space<semaphore_mem>>) src(%arg7 : memref<128x16xf32, #tpu.memory_space<vmem>>) dst(%dma_wait3A_28 : memref<10112x16xf32, #tpu.memory_space<vmem_shared>>)
        tpu.yield
      }) : () -> ()
    }
    %scan3A_8 = arith.constant 80 : i32
    %barrier3A_9 = arith.constant 0 : index
    tpu.barrier barrier_id(%barrier3A_9)
    %mul3A_10 = arith.constant 632 : i32
    %mul3A_11 = arith.muli %arg1, %mul3A_10 : i32
    %mul3A_12 = arith.constant 632 : i32
    %mul3A_13 = arith.muli %arg1, %mul3A_12 : i32
    "tpu.region"() ({
      %run_scoped3A = tpu.sem_alloc : memref<!tpu.dma_semaphore, #tpu.memory_space<semaphore_mem>>
      %dma_start3A = arith.constant 0 : i32
      %dma_start3A_14 = tpu.memref_slice %arg5[%arg0, %mul3A_13, %dma_start3A] : memref<2x10112x16xf32, #tpu.memory_space<hbm>> -> memref<1x632x16xf32, #tpu.memory_space<hbm>>
      %dma_start3A_15 = tpu.memref_squeeze %dma_start3A_14 : memref<1x632x16xf32, #tpu.memory_space<hbm>> -> memref<632x16xf32, #tpu.memory_space<hbm>>
      %dma_start3A_16 = arith.constant 0 : i32
      %dma_start3A_17 = tpu.memref_slice %arg8[%mul3A_11, %dma_start3A_16] : memref<10112x16xf32, #tpu.memory_space<vmem_shared>> -> memref<632x16xf32, #tpu.memory_space<vmem_shared>>
      tpu.enqueue_dma source(%dma_start3A_17 : memref<632x16xf32, #tpu.memory_space<vmem_shared>>) target(%dma_start3A_15 : memref<632x16xf32, #tpu.memory_space<hbm>>) target_semaphore(%run_scoped3A : memref<!tpu.dma_semaphore, #tpu.memory_space<semaphore_mem>>)
      %dma_wait3A = arith.constant 0 : i32
      %dma_wait3A_18 = tpu.memref_slice %arg5[%arg0, %mul3A_13, %dma_wait3A] : memref<2x10112x16xf32, #tpu.memory_space<hbm>> -> memref<1x632x16xf32, #tpu.memory_space<hbm>>
      %dma_wait3A_19 = tpu.memref_squeeze %dma_wait3A_18 : memref<1x632x16xf32, #tpu.memory_space<hbm>> -> memref<632x16xf32, #tpu.memory_space<hbm>>
      %dma_wait3A_20 = arith.constant 0 : i32
      %dma_wait3A_21 = tpu.memref_slice %arg8[%mul3A_11, %dma_wait3A_20] : memref<10112x16xf32, #tpu.memory_space<vmem_shared>> -> memref<632x16xf32, #tpu.memory_space<vmem_shared>>
      tpu.wait_dma2 semaphore(%run_scoped3A : memref<!tpu.dma_semaphore, #tpu.memory_space<semaphore_mem>>) src(%dma_wait3A_21 : memref<632x16xf32, #tpu.memory_space<vmem_shared>>) dst(%dma_wait3A_19 : memref<632x16xf32, #tpu.memory_space<hbm>>)
      tpu.yield
    }) : () -> ()
    return
  }
}

module attributes {stable_mosaic.version = 14 : i64} {
  func.func @_tc_matmul_body(%arg0: memref<10000x128xf32, #tpu.memory_space<vmem>>, %arg1: memref<128x64xf32, #tpu.memory_space<vmem>>, %arg2: memref<10000x64xf32, #tpu.memory_space<vmem>>) attributes {dimension_semantics = [], scalar_prefetch = 0 : i64, scratch_operands = 0 : i64, tpu.core_type = #tpu.core_type<tc>} {
    %get3A = arith.constant 0 : index
    %get3A_0 = arith.constant 0 : index
    %get3A_1 = vector.load %arg0[%get3A, %get3A_0] : memref<10000x128xf32, #tpu.memory_space<vmem>>, vector<10000x128xf32>
    %get3A_2 = arith.constant 0 : index
    %get3A_3 = arith.constant 0 : index
    %get3A_4 = vector.load %arg1[%get3A_2, %get3A_3] : memref<128x64xf32, #tpu.memory_space<vmem>>, vector<128x64xf32>
    %dot_general3A = arith.constant dense<0.000000e+00> : vector<10000x64xf32>
    %dot_general3A_5 = tpu.matmul %get3A_1, %get3A_4, %dot_general3A {dimension_numbers = #tpu.dot_dimension_numbers<[1], [0], [0], [1], [0, 0, 1, 1], [], []>, transpose_lhs_hint = false} : vector<10000x128xf32>, vector<128x64xf32>, vector<10000x64xf32> -> vector<10000x64xf32>
    %swap3A = arith.constant 0 : index
    %swap3A_6 = arith.constant 0 : index
    %swap3A_7 = vector.load %arg2[%swap3A, %swap3A_6] : memref<10000x64xf32, #tpu.memory_space<vmem>>, vector<10000x64xf32>
    tpu.vector_store %arg2[%swap3A, %swap3A_6], %dot_general3A_5 {strides = array<i32>} : memref<10000x64xf32, #tpu.memory_space<vmem>>, vector<10000x64xf32>,
    return
  }
}

module attributes {stable_mosaic.version = 14 : i64} {
  func.func @_tc_norm_body(%arg0: memref<10000x1xf32, #tpu.memory_space<vmem>>, %arg1: memref<10000x1xf32, #tpu.memory_space<vmem>>, %arg2: memref<10000x64xf32, #tpu.memory_space<vmem>>, %arg3: memref<10000x64xf32, #tpu.memory_space<vmem>>, %arg4: memref<10000x1xf32, #tpu.memory_space<vmem>>) attributes {dimension_semantics = [], scalar_prefetch = 0 : i64, scratch_operands = 0 : i64, tpu.core_type = #tpu.core_type<tc>} {
    %get3A = arith.constant 0 : index
    %get3A_0 = arith.constant 0 : index
    %get3A_1 = vector.load %arg0[%get3A, %get3A_0] : memref<10000x1xf32, #tpu.memory_space<vmem>>, vector<10000x1xf32>
    %get3A_2 = arith.constant 0 : index
    %get3A_3 = arith.constant 0 : index
    %get3A_4 = vector.load %arg1[%get3A_2, %get3A_3] : memref<10000x1xf32, #tpu.memory_space<vmem>>, vector<10000x1xf32>
    %add3A = arith.addf %get3A_1, %get3A_4 : vector<10000x1xf32>
    %add3A_5 = arith.constant 1.000000e+00 : f32
    %add3A_6 = vector.broadcast %add3A_5 : f32 to vector<10000x1xf32>
    %add3A_7 = arith.addf %add3A, %add3A_6 : vector<10000x1xf32>
    %rsqrt3A = math.rsqrt %add3A_7 : vector<10000x1xf32>
    %get3A_8 = arith.constant 0 : index
    %get3A_9 = arith.constant 0 : index
    %get3A_10 = vector.load %arg2[%get3A_8, %get3A_9] : memref<10000x64xf32, #tpu.memory_space<vmem>>, vector<10000x64xf32>
    %mul3A = vector.broadcast %rsqrt3A : vector<10000x1xf32> to vector<10000x64xf32>
    %mul3A_11 = arith.mulf %get3A_10, %mul3A : vector<10000x64xf32>
    %swap3A = arith.constant 0 : index
    %swap3A_12 = arith.constant 0 : index
    %swap3A_13 = vector.load %arg3[%swap3A, %swap3A_12] : memref<10000x64xf32, #tpu.memory_space<vmem>>, vector<10000x64xf32>
    tpu.vector_store %arg3[%swap3A, %swap3A_12], %mul3A_11 {strides = array<i32>} : memref<10000x64xf32, #tpu.memory_space<vmem>>, vector<10000x64xf32>,
    %swap3A_14 = arith.constant 0 : index
    %swap3A_15 = arith.constant 0 : index
    %swap3A_16 = vector.load %arg4[%swap3A_14, %swap3A_15] : memref<10000x1xf32, #tpu.memory_space<vmem>>, vector<10000x1xf32>
    tpu.vector_store %arg4[%swap3A_14, %swap3A_15], %rsqrt3A {strides = array<i32>} : memref<10000x1xf32, #tpu.memory_space<vmem>>, vector<10000x1xf32>,
    return
  }
}

module attributes {stable_mosaic.version = 14 : i64} {
  func.func @_tc_layer2_body(%arg0: memref<10000x64xf32, #tpu.memory_space<vmem>>, %arg1: memref<10000x64xf32, #tpu.memory_space<vmem>>, %arg2: memref<10000x64xf32, #tpu.memory_space<vmem>>, %arg3: memref<10000x1xf32, #tpu.memory_space<vmem>>, %arg4: memref<1x64xf32, #tpu.memory_space<vmem>>, %arg5: memref<64x64xf32, #tpu.memory_space<vmem>>, %arg6: memref<10000x64xf32, #tpu.memory_space<vmem>>) attributes {dimension_semantics = [], scalar_prefetch = 0 : i64, scratch_operands = 0 : i64, tpu.core_type = #tpu.core_type<tc>} {
    %get3A = arith.constant 0 : index
    %get3A_0 = arith.constant 0 : index
    %get3A_1 = vector.load %arg3[%get3A, %get3A_0] : memref<10000x1xf32, #tpu.memory_space<vmem>>, vector<10000x1xf32>
    %get3A_2 = arith.constant 0 : index
    %get3A_3 = arith.constant 0 : index
    %get3A_4 = vector.load %arg0[%get3A_2, %get3A_3] : memref<10000x64xf32, #tpu.memory_space<vmem>>, vector<10000x64xf32>
    %get3A_5 = arith.constant 0 : index
    %get3A_6 = arith.constant 0 : index
    %get3A_7 = vector.load %arg1[%get3A_5, %get3A_6] : memref<10000x64xf32, #tpu.memory_space<vmem>>, vector<10000x64xf32>
    %add3A = arith.addf %get3A_4, %get3A_7 : vector<10000x64xf32>
    %get3A_8 = arith.constant 0 : index
    %get3A_9 = arith.constant 0 : index
    %get3A_10 = vector.load %arg2[%get3A_8, %get3A_9] : memref<10000x64xf32, #tpu.memory_space<vmem>>, vector<10000x64xf32>
    %add3A_11 = arith.addf %add3A, %get3A_10 : vector<10000x64xf32>
    %mul3A = vector.broadcast %get3A_1 : vector<10000x1xf32> to vector<10000x64xf32>
    %mul3A_12 = arith.mulf %mul3A, %add3A_11 : vector<10000x64xf32>
    %get3A_13 = arith.constant 0 : index
    %get3A_14 = arith.constant 0 : index
    %get3A_15 = vector.load %arg4[%get3A_13, %get3A_14] : memref<1x64xf32, #tpu.memory_space<vmem>>, vector<1x64xf32>
    %add3A_16 = vector.broadcast %get3A_15 : vector<1x64xf32> to vector<10000x64xf32>
    %add3A_17 = arith.addf %mul3A_12, %add3A_16 : vector<10000x64xf32>
    %max3A = arith.constant 0.000000e+00 : f32
    %max3A_18 = vector.broadcast %max3A : f32 to vector<10000x64xf32>
    %max3A_19 = arith.maximumf %add3A_17, %max3A_18 : vector<10000x64xf32>
    %get3A_20 = arith.constant 0 : index
    %get3A_21 = arith.constant 0 : index
    %get3A_22 = vector.load %arg5[%get3A_20, %get3A_21] : memref<64x64xf32, #tpu.memory_space<vmem>>, vector<64x64xf32>
    %dot_general3A = arith.constant dense<0.000000e+00> : vector<10000x64xf32>
    %dot_general3A_23 = tpu.matmul %max3A_19, %get3A_22, %dot_general3A {dimension_numbers = #tpu.dot_dimension_numbers<[1], [0], [0], [1], [0, 0, 1, 1], [], []>, transpose_lhs_hint = false} : vector<10000x64xf32>, vector<64x64xf32>, vector<10000x64xf32> -> vector<10000x64xf32>
    %get3A_24 = arith.constant 0 : index
    %get3A_25 = arith.constant 0 : index
    %get3A_26 = vector.load %arg3[%get3A_24, %get3A_25] : memref<10000x1xf32, #tpu.memory_space<vmem>>, vector<10000x1xf32>
    %mul3A_27 = vector.broadcast %get3A_26 : vector<10000x1xf32> to vector<10000x64xf32>
    %mul3A_28 = arith.mulf %dot_general3A_23, %mul3A_27 : vector<10000x64xf32>
    %swap3A = arith.constant 0 : index
    %swap3A_29 = arith.constant 0 : index
    %swap3A_30 = vector.load %arg6[%swap3A, %swap3A_29] : memref<10000x64xf32, #tpu.memory_space<vmem>>, vector<10000x64xf32>
    tpu.vector_store %arg6[%swap3A, %swap3A_29], %mul3A_28 {strides = array<i32>} : memref<10000x64xf32, #tpu.memory_space<vmem>>, vector<10000x64xf32>,
    return
  }
}

module attributes {stable_mosaic.version = 14 : i64} {
  func.func @_tc_head_body(%arg0: memref<10000x64xf32, #tpu.memory_space<vmem>>, %arg1: memref<10000x64xf32, #tpu.memory_space<vmem>>, %arg2: memref<10000x64xf32, #tpu.memory_space<vmem>>, %arg3: memref<10000x1xf32, #tpu.memory_space<vmem>>, %arg4: memref<1x64xf32, #tpu.memory_space<vmem>>, %arg5: memref<64x1xf32, #tpu.memory_space<vmem>>, %arg6: memref<1x1xf32, #tpu.memory_space<vmem>>, %arg7: memref<10000x1xf32, #tpu.memory_space<vmem>>) attributes {dimension_semantics = [], scalar_prefetch = 0 : i64, scratch_operands = 0 : i64, tpu.core_type = #tpu.core_type<tc>} {
    %get3A = arith.constant 0 : index
    %get3A_0 = arith.constant 0 : index
    %get3A_1 = vector.load %arg3[%get3A, %get3A_0] : memref<10000x1xf32, #tpu.memory_space<vmem>>, vector<10000x1xf32>
    %get3A_2 = arith.constant 0 : index
    %get3A_3 = arith.constant 0 : index
    %get3A_4 = vector.load %arg0[%get3A_2, %get3A_3] : memref<10000x64xf32, #tpu.memory_space<vmem>>, vector<10000x64xf32>
    %get3A_5 = arith.constant 0 : index
    %get3A_6 = arith.constant 0 : index
    %get3A_7 = vector.load %arg1[%get3A_5, %get3A_6] : memref<10000x64xf32, #tpu.memory_space<vmem>>, vector<10000x64xf32>
    %add3A = arith.addf %get3A_4, %get3A_7 : vector<10000x64xf32>
    %get3A_8 = arith.constant 0 : index
    %get3A_9 = arith.constant 0 : index
    %get3A_10 = vector.load %arg2[%get3A_8, %get3A_9] : memref<10000x64xf32, #tpu.memory_space<vmem>>, vector<10000x64xf32>
    %add3A_11 = arith.addf %add3A, %get3A_10 : vector<10000x64xf32>
    %mul3A = vector.broadcast %get3A_1 : vector<10000x1xf32> to vector<10000x64xf32>
    %mul3A_12 = arith.mulf %mul3A, %add3A_11 : vector<10000x64xf32>
    %get3A_13 = arith.constant 0 : index
    %get3A_14 = arith.constant 0 : index
    %get3A_15 = vector.load %arg4[%get3A_13, %get3A_14] : memref<1x64xf32, #tpu.memory_space<vmem>>, vector<1x64xf32>
    %add3A_16 = vector.broadcast %get3A_15 : vector<1x64xf32> to vector<10000x64xf32>
    %add3A_17 = arith.addf %mul3A_12, %add3A_16 : vector<10000x64xf32>
    %get3A_18 = arith.constant 0 : index
    %get3A_19 = arith.constant 0 : index
    %get3A_20 = vector.load %arg5[%get3A_18, %get3A_19] : memref<64x1xf32, #tpu.memory_space<vmem>>, vector<64x1xf32>
    %dot_general3A = arith.constant dense<0.000000e+00> : vector<10000x1xf32>
    %dot_general3A_21 = tpu.matmul %add3A_17, %get3A_20, %dot_general3A {dimension_numbers = #tpu.dot_dimension_numbers<[1], [0], [0], [1], [0, 0, 1, 1], [], []>, transpose_lhs_hint = false} : vector<10000x64xf32>, vector<64x1xf32>, vector<10000x1xf32> -> vector<10000x1xf32>
    %get3A_22 = arith.constant 0 : index
    %get3A_23 = arith.constant 0 : index
    %get3A_24 = vector.load %arg6[%get3A_22, %get3A_23] : memref<1x1xf32, #tpu.memory_space<vmem>>, vector<1x1xf32>
    %add3A_25 = vector.broadcast %get3A_24 : vector<1x1xf32> to vector<10000x1xf32>
    %add3A_26 = arith.addf %dot_general3A_21, %add3A_25 : vector<10000x1xf32>
    %logistic3A = arith.negf %add3A_26 : vector<10000x1xf32>
    %logistic3A_27 = math.exp %logistic3A : vector<10000x1xf32>
    %logistic3A_28 = arith.constant 1.000000e+00 : f32
    %logistic3A_29 = vector.broadcast %logistic3A_28 : f32 to vector<10000x1xf32>
    %logistic3A_30 = arith.addf %logistic3A_29, %logistic3A_27 : vector<10000x1xf32>
    %logistic3A_31 = arith.divf %logistic3A_29, %logistic3A_30 : vector<10000x1xf32>
    %swap3A = arith.constant 0 : index
    %swap3A_32 = arith.constant 0 : index
    %swap3A_33 = vector.load %arg7[%swap3A, %swap3A_32] : memref<10000x1xf32, #tpu.memory_space<vmem>>, vector<10000x1xf32>
    tpu.vector_store %arg7[%swap3A, %swap3A_32], %logistic3A_31 {strides = array<i32>} : memref<10000x1xf32, #tpu.memory_space<vmem>>, vector<10000x1xf32>,
    return
  }
}

</mosaic_0001>

<sc_bundles>
// kernel: _run.12.cloned.1.call-start
scs
__scs_entry_jumppad:
0x0: {  	(pc) =	sbr.rel $0x88, $3  }
0x1: {  	(tag) =	ssettag $0x0;
	lr =	simm.s32 $0x1  }
0x2: {  	[smem:$0x3F99] =	sst lr;
	_ =	strace $0xD0000000  }
0x3: {  	_ = 	snop  }
0x4: {  	_ = 	snop  }
0x5: {  	_ = 	snop  }
0x6: {  	_ = 	snop  }
0x7: {  	_ = 	snop  }
__scs_overlays_trampoline_lowered:
0x8: {  	[smem:$0x3FA8] =	sst s0  }
0x9: {  	[smem:$0x3FA9] =	sst s1  }
0xa: {  	[smem:$0x3FAA] =	sst s2  }
0xb: {  	[smem:$0x3FAB] =	sst s3  }
0xc: {  	[smem:$0x3FAC] =	sst s4  }
0xd: {  	[smem:$0x3FAD] =	sst s5  }
0xe: {  	[smem:$0x3FAE] =	sst s6  }
0xf: {  	[smem:$0x3FAF] =	sst s7  }
0x10: {  	[smem:$0x3FB0] =	sst s8  }
0x11: {  	[smem:$0x3FB1] =	sst s9;
	s0 =	simm.s32 @!p0 $0x0  }
0x12: {  	s1 =	sld [smem:$0x3F97];
	s0 =	simm.s32 @p0 $0x1  }
0x13: {  	[smem:$0x3FB2] =	sst s0;
	s0 =	simm.s32 @!p1 $0x0  }
0x14: {  	s2 =	sld [smem:$0x3F96];
	s0 =	simm.s32 @p1 $0x1  }
0x15: {  	[smem:$0x3FB3] =	sst s0;
	s0 =	simm.s32 @!p2 $0x0  }
0x16: {  	s3 =	sld [smem:$0x3FDB];
	s0 =	simm.s32 @p2 $0x1  }
0x17: {  	s4 =	simm.s32 $0x1BF5;
	[smem:$0x3FB5] =	sst s0  }
0x18: {  	s0 =	sld [smem:$0x3F98];
	_ =	swait.ge [sflag:s4], $0x0  }
0x19: {  	s7 =	sld [smem:$0x3F99]  }
0x1a: {  	s8 =	sadd.s32 $0xFFFFE003, lr  }
0x1b: {  	s9 =	sadd.s32 $0xFFFFFEF7, lr;
	s5 =	simm.s32 $0xFFFFFFFF;
	p2 =	slt.u32 s8, $0xFFFFF086  }
0x1c: {  	p1 =	slt.u32 s9, $0xF7A;
	s5 =	simm.s32 @!p2 $0x0  }
0x1d: {  	s5 =	simm.s32 @p1 $0x1;
	p0 =	seq.s32 s7, s2  }
0x1e: {  	s7 =	smul.u32 @!p0 $0xF7A, s2;
	p2 =	seq.s32 @!p0 s5, $0x0  }
0x1f: {  	s9 =	smul.u32 $0xF7A, s1;
	s8 =	simm.s32 @!p0 $0x1BF5;
	p2 =	por !p2, p0  }
0x20: {  	[sflag:s8] =	ssyncset.s32 @!p0 $0xFFFFF086;
	s6 =	sadd.s32 @!p0 s3, s7;
	s7 =	simm.s32 @!p0 $0x108  }
0x21: {  	s3 =	sadd.s32 s3, s9;
	s6 =	sadd.s32 @!p0 $0x88, s6;
	s7 =	simm.s32 @p2 $0x1082  }
0x22: {  	[simem:s7], [sflag:s8] =	dma.local @!p0 [hbm:s6], $0xF7A  }
0x23: {  	s9 =	sor.u32 $0xD0000000, s2;
	s6 =	simm.s32 $0x108;
	_ =	swait.ge @!p0 [sflag:s8], $0x0  }
0x24: {  	s3 =	sadd.s32 $0x88, s3;
	s6 =	simm.s32 @!p1 $0x1082;
	[sflag:s4] =	ssyncset.s32 $0xFFFFF086  }
0x25: {  	[simem:s6], [sflag:s4] =	dma.local [hbm:s3], $0xF7A  }
0x26: {  	[smem:$0x3F99] =	sst s1;
	(tag) =	ssettag s2;
	_ =	strace s9  }
0x27: {  	s1 =	sld [smem:$0x3FA9]  }
0x28: {  	s2 =	sld [smem:$0x3FAA]  }
0x29: {  	s4 =	sld [smem:$0x3FAC]  }
0x2a: {  	p0 =	seq.s32 s5, $0x0;
	s5 =	sld [smem:$0x3FAD]  }
0x2b: {  	s6 =	sld [smem:$0x3FAE]  }
0x2c: {  	s7 =	sld [smem:$0x3FAF]  }
0x2d: {  	s3 =	simm.s32 $0x108;
	s8 =	sld [smem:$0x3FB0]  }
0x2e: {  	s3 =	simm.s32 @!p0 $0x1082;
	s9 =	sld [smem:$0x3FB1]  }
0x2f: {  	lr =	sadd.s32 s0, s3;
	s0 =	sld [smem:$0x3FA8]  }
0x30: {  	s3 =	sld [smem:$0x3FAB]  }
0x31: {  	[smem:$0x3FB4] =	sst s10  }
0x32: {  	s10 =	sld [smem:$0x3FB2];
	_ =	sdelay $0x3  }
0x33: {  	p0 =	seq.s32 s10, $0x1;
	s10 =	sld [smem:$0x3FB4];
	_ =	sdelay $0x3  }
0x34: {  	[smem:$0x3FB4] =	sst s10  }
0x35: {  	s10 =	sld [smem:$0x3FB3];
	_ =	sdelay $0x3  }
0x36: {  	p1 =	seq.s32 s10, $0x1;
	s10 =	sld [smem:$0x3FB4];
	_ =	sdelay $0x3  }
0x37: {  	[smem:$0x3FB4] =	sst s10  }
0x38: {  	s10 =	sld [smem:$0x3FB5]  }
0x39: {  	_ = 	snop;
	(pc) =	sbr.ind lr, $3  }
0x3a: {  	_ = 	snop  }
0x3b: {  	_ = 	snop  }
0x3c: {  	p2 =	seq.s32 s10, $0x1;
	s10 =	sld [smem:$0x3FB4]  }
0x3d: {  	_ =	shalt  }
0x3e: {  	_ =	shalt  }
0x3f: {  	_ =	shalt  }
0x40: {  	_ =	shalt  }
0x41: {  	_ =	shalt  }
0x42: {  	_ =	shalt  }
0x43: {  	_ =	shalt  }
0x44: {  	_ =	shalt  }
0x45: {  	_ =	shalt  }
0x46: {  	_ =	shalt  }
0x47: {  	_ =	shalt  }
0x48: {  	_ =	shalt  }
0x49: {  	_ =	shalt  }
0x4a: {  	_ =	shalt  }
0x4b: {  	_ =	shalt  }
0x4c: {  	_ =	shalt  }
0x4d: {  	_ =	shalt  }
0x4e: {  	_ =	shalt  }
0x4f: {  	_ =	shalt  }
0x50: {  	_ =	shalt  }
0x51: {  	_ =	shalt  }
0x52: {  	_ =	shalt  }
0x53: {  	_ =	shalt  }
0x54: {  	_ =	shalt  }
0x55: {  	_ =	shalt  }
0x56: {  	_ =	shalt  }
0x57: {  	_ =	shalt  }
0x58: {  	_ =	shalt  }
0x59: {  	_ =	shalt  }
0x5a: {  	_ =	shalt  }
0x5b: {  	_ =	shalt  }
0x5c: {  	_ =	shalt  }
0x5d: {  	_ =	shalt  }
0x5e: {  	_ =	shalt  }
0x5f: {  	_ =	shalt  }
0x60: {  	_ =	shalt  }
0x61: {  	_ =	shalt  }
0x62: {  	_ =	shalt  }
0x63: {  	_ =	shalt  }
0x64: {  	_ =	shalt  }
0x65: {  	_ =	shalt  }
0x66: {  	_ =	shalt  }
0x67: {  	_ =	shalt  }
0x68: {  	_ =	shalt  }
0x69: {  	_ =	shalt  }
0x6a: {  	_ =	shalt  }
0x6b: {  	_ =	shalt  }
0x6c: {  	_ =	shalt  }
0x6d: {  	_ =	shalt  }
0x6e: {  	_ =	shalt  }
0x6f: {  	_ =	shalt  }
0x70: {  	_ =	shalt  }
0x71: {  	_ =	shalt  }
0x72: {  	_ =	shalt  }
0x73: {  	_ =	shalt  }
0x74: {  	_ =	shalt  }
0x75: {  	_ =	shalt  }
0x76: {  	_ =	shalt  }
0x77: {  	_ =	shalt  }
0x78: {  	_ =	shalt  }
0x79: {  	_ =	shalt  }
0x7a: {  	_ =	shalt  }
0x7b: {  	_ =	shalt  }
0x7c: {  	_ =	shalt  }
0x7d: {  	_ =	shalt  }
0x7e: {  	_ =	shalt  }
0x7f: {  	_ =	shalt  }
0x80: {  	_ =	shalt  }
0x81: {  	_ =	shalt  }
0x82: {  	_ =	shalt  }
0x83: {  	_ =	shalt  }
0x84: {  	_ =	shalt  }
0x85: {  	_ =	shalt  }
0x86: {  	_ =	shalt  }
0x87: {  	_ =	shalt  }
.Lfunc_end0:
.L_simem_size_0:
called_computation.1_lowered:
.L_overlay_start_0:
0x88: {  	s2 =	sld [smem:$0x3FD9]  }
0x89: {  	s3 =	sld [smem:$0x3FFE];
	_ =	sdelay $0x1  }
0x8a: {  	s1 =	srdreg.scid  }
0x8b: {  	s0 =	sand.u32 $0x1, s1  }
0x8c: {  	s16 =	sshll.u32 s0, $0xA;
	s2 =	sadd.s32 s3, s2  }
0x8d: {  	s2 =	sadd.s32 s2, s16  }
0x8e: {  	[smem:$0x3FC0] =	sst s2  }
0x8f: {  	_ = 	snop  }
0x90: {  	(tm) =	ssettm $0x1  }
0x91: {  	s17 =	sld [smem:$0x3FFB];
	_ =	sdelay $0x3  }
0x92: {  	_ =	strace s17  }
0x93: {  	s2 =	sld [smem:$0x3FFC];
	_ =	sdelay $0x3  }
0x94: {  	_ =	strace s2  }
0x95: {  	s2 =	sld [smem:$0x3FFD];
	_ =	sdelay $0x3  }
0x96: {  	_ =	strace s2  }
0x97: {  	_ =	strace $0x8FFFFFFF  }
0x98: {  	s18 =	sld [smem:$0x3FDB];
	_ =	sdelay $0x1  }
0x99: {  	s19 =	simm.s32 $_scs_section_size  }
0x9a: {  	s4 =	simm.s32 $_size__tile_overlayer_lowered;
	s5 =	simm.s32 $_tile_overlayer_lowered  }
0x9b: {  	s22 =	simm.s32 $0x1BFF;
	s21 =	sshll.u32 s5, $0x1;
	s2 =	sadd.s32 s19, s18  }
0x9c: {  	s6 =	simm.s32 $0x0;
	s20 =	sshll.u32 s4, $0x1;
	s4 =	sadd.s32 s21, s2  }
0x9d: {  	[timem:s6], [sflag:s22] =	dma.local [hbm:s4], s20  }
0x9e: {  	_ =	swait.ge [sflag:s22], s20  }
0x9f: {  	s3 =	ssub.s32 $0x0, s20;
	[sflag:s22] =	ssyncset.done $0x0  }
0xa0: {  	[sflag:s22] =	ssyncadd.s32 s3;
	_ =	sdelay $0x1  }
0xa1: {  	s23 =	simm.s32 $0x1B8B  }
0xa2: {  	_ =	swait.ge [sflag:s23], $0x1  }
0xa3: {  	[sflag:s23] =	ssyncset.done $0x0  }
0xa4: {  	s25 =	simm.s32 $0x1B8E;
	s24 =	sld [smem:$0x3FFE];
	[sflag:s23] =	ssyncadd.s32 $0xFFFFFFFF  }
0xa5: {  	s26 =	simm.s32 $execute0_lowered;
	[smem:$0x3FD2] =	sst s25  }
0xa6: {  	s4 =	sshll.u32 s26, $0x1;
	_ =	strace $0x80000049;
	[dreg:$0x1] =	wrdreg $0xFFFFFFFF  }
0xa7: {  	s28 =	simm.s32 $_size_execute0_lowered;
	s2 =	sadd.s32 s2, s4;
	[dreg:$0x0] =	wrdreg $0x0  }
0xa8: {  	s4 =	sshll.u32 s28, $0x1;
	[dreg:$0x2] =	wrdreg s2  }
0xa9: {  	[dreg:$0x3] =	wrdreg s4  }
0xaa: {  	[dreg:$0x4] =	wrdreg $0xC0  }
0xab: {  	_ =	task [dreg:s6], $0x5FFFF  }
0xac: {  	[dreg:$0x1] =	wrdreg $0xFFFFFFFF  }
0xad: {  	[dreg:$0x0] =	wrdreg $0x60  }
0xae: {  	[dreg:$0x2] =	wrdreg s24  }
0xaf: {  	[dreg:$0x3] =	wrdreg $0x70000  }
0xb0: {  	[dreg:$0x4] =	wrdreg $0x9  }
0xb1: {  	_ =	task.clear_ibuf [dreg:s6], $0x5FFFF;
	_ =	strace $0x90000049  }
0xb2: {  	s29 =	simm.s32 $0x9;
	_ =	strace $0x8000004B  }
0xb3: {  	_ =	swait.ge [sflag:s29], $0x1  }
0xb4: {  	[sflag:s29] =	ssyncadd.s32 $0xFFFFFFFF  }
0xb5: {  	_ =	strace $0x9000004B  }
0xb6: {  	_ =	sfence  }
0xb7: {  	s30 =	sld [smem:$0x0];
	_ =	sdelay $0x2  }
0xb8: {  	s31 =	sshll.u32 s1, $0xD;
	s1 =	sshrl.u32 s1, $0x2  }
0xb9: {  	s3 =	sand.u32 $0x4000, s31;
	s1 =	sadd.s32 s1, s30  }
0xba: {  	s0 =	sor.u32 s3, s0;
	s1 =	sshll.u32 s1, $0x11  }
0xbb: {  	s0 =	sor.u32 s1, s0  }
0xbc: {  	s0 =	sadd.s32 $0x8F2B, s0  }
0xbd: {  	[sflag:s0] =	ssyncadd.remote.s32 $0x1  }
0xbe: {  	_ =	sfence.sel $0xFFFF  }
0xbf: {  	[dreg:$0x0] =	wrdreg $0xFFFFFFFF;
	(pc) =	sbr.abs _section_cstart, $3  }
0xc0: {  	[dreg:$0x1] =	wrdreg $0xFFFFFFFF  }
0xc1: {  	_ =	task.clear_ibuf [dreg:s6], $0x2FFFF;
	_ =	strace $0x9FFFFFFF  }
0xc2: {  	(tm) =	ssettm $0x7FFFFFFF  }
0xc3: {  	_ =	shalt  }
tec
execute0_lowered:
.L_overlay_start_1:
0x0: {  	(tag) =	ssettag $0x1  }
0x1: {  	s5 =	rddreg [dreg:$0x0]  }
0x2: {  	s0 =	srdreg.scid;
	s6 =	rddreg [dreg:$0x1]  }
0x3: {  	s2 =	simm.s32 $0x0;
	s13 =	simm.s32 $0x80;
	s14 =	simm.s32 $0x5000  }
0x4: {  	s15 =	simm.s32 $0x5800;
	s16 =	simm.s32 $0x6000;
	s17 =	simm.s32 $0x6800  }
0x5: {  	s18 =	simm.s32 $0x1;
	s19 =	simm.s32 $0x2;
	s20 =	simm.s32 $0x3  }
0x6: {  	s21 =	simm.s32 $0x4;
	s4 =	sand.u32 $0x1, s0;
	s0 =	stileid.u32  }
0x7: {  	s22 =	simm.s32 $0x0;
	[smem:$0x7FF] =	sst s2;
	s8 =	smul.u32 $0x9E00, s0  }
0x8: {  	s3 =	sadd.s32 $0x32E00, s5;
	s1 =	sshll.u32 s4, $0x4;
	s9 =	smul.u32 $0x9E000, s4  }
0x9: {  	s4 =	ssub.s32 $0x2, s4;
	s31 =	sshll.u32 s0, $0x6;
	s1 =	sor.u32 s0, s1  }
0xa: {  	s11 =	sshrl.u32 s4, $0x1;
	s7 =	smul.u32 $0x500, s1;
	s1 =	rddreg [dreg:$0x2]  }
0xb: {  	_ =	strace $0x8000004A;
	s9 =	sadd.s32 s8, s9;
	s10 =	sshrl.u32 s8, $0x3  }
0xc: {  	s11 =	ssub.s32 s4, s11;
	s12 =	sadd.s32 s8, s6;
	s9 =	sshrl.u32 s9, $0x3  }
0xd: {  	s10 =	sadd.s32 s10, s5;
	s7 =	sadd.s32 s7, s5;
	s9 =	sadd.s32 s9, s5  }
0xe: {  	s4 =	sadd.s32 $0x5F600, s10;
	s5 =	sor.u32 $0x1C05, s31;
	s10 =	sshrl.u32 s12, $0x3  }
0xf: {  	s12 =	simm.s32 $0x2800;
	s6 =	sadd.s32 $0x41C00, s7;
	s7 =	sadd.s32 $0x1C00, s7  }
0x10: {  	s8 =	sadd.s32 $0x73200, s9;
	s9 =	smax.u32 s11, $0x1;
	s11 =	simm.s32 $0x5  }
.LBB2_1:
0x11: {  	[spmem:s10], [sflag:s5] =	dma.local [hbm:s4], $0x13C0  }
0x12: {  	_ =	swait.ge [sflag:s11], $0x13C0  }
0x13: {  	[sflag:s11] =	ssyncset.done $0x0  }
0x14: {  	[sflag:s11] =	ssyncadd.s32 $0xFFFFEC40  }
0x15: {  	[tilespmem:s2], [sflag:$0x5] =	stream.linear.gather [hbm4b:s6+s2], $0x2800, $0x38;
	[tilespmem:$0x10E00] =	vst v63  }
0x16: {  	_ =	swait.ge [sflag:s11], $0x2800  }
0x17: {  	[sflag:s11] =	ssyncset.done $0x0  }
0x18: {  	[sflag:s11] =	ssyncadd.s32 $0xFFFFD800  }
0x19: {  	[tilespmem:s12], [sflag:$0x5] =	stream.linear.gather [hbm4b:s7+s2], $0x2800, $0x38;
	[tilespmem:$0x10E00] =	vst v63  }
0x1a: {  	_ =	swait.ge [sflag:s11], $0x2800  }
0x1b: {  	[sflag:s11] =	ssyncset.done $0x0  }
0x1c: {  	[sflag:s11] =	ssyncadd.s32 $0xFFFFD800  }
0x1d: {  	s23 =	simm.s32 $0x0;
	[bflag:$0x0] =	sbarrier.arrive $0xFFFF  }
0x1e: {  	[tilespmem:s14], [sflag:$0x1] =	stream.indirect.gather [hbm4b:s3+s13], $0x10, s23, s13, $0xb8;
	[tilespmem:$0x10E00] =	vst v63  }
0x1f: {  	s29 =	simm.s32 $0x80  }
0x20: {  	[tilespmem:s15], [sflag:$0x2] =	stream.indirect.gather [hbm4b:s3+s13], $0x10, s29, s13, $0xb8;
	[tilespmem:$0x10E00] =	vst v63  }
0x21: {  	s30 =	simm.s32 $0x100  }
0x22: {  	[tilespmem:s16], [sflag:$0x3] =	stream.indirect.gather [hbm4b:s3+s13], $0x10, s30, s13, $0xb8;
	[tilespmem:$0x10E00] =	vst v63  }
0x23: {  	s31 =	simm.s32 $0x180  }
0x24: {  	[tilespmem:s17], [sflag:$0x4] =	stream.indirect.gather [hbm4b:s3+s13], $0x10, s31, s13, $0xb8;
	[tilespmem:$0x10E00] =	vst v63  }
0x25: {  	_ =	swait.ge [sflag:s18], $0x800  }
0x26: {  	[sflag:s18] =	ssyncset.done $0x0  }
0x27: {  	[sflag:s18] =	ssyncadd.s32 $0xFFFFF800  }
0x28: {  	_ =	swait.ge [sflag:s19], $0x800  }
0x29: {  	[sflag:s19] =	ssyncset.done $0x0  }
0x2a: {  	[sflag:s19] =	ssyncadd.s32 $0xFFFFF800  }
0x2b: {  	_ =	swait.ge [sflag:s20], $0x800  }
0x2c: {  	[sflag:s20] =	ssyncset.done $0x0  }
0x2d: {  	[sflag:s20] =	ssyncadd.s32 $0xFFFFF800  }
0x2e: {  	_ =	swait.ge [sflag:s21], $0x800  }
0x2f: {  	s24 =	simm.s32 $0x1000;
	s23 =	simm.s32 $0x800;
	[sflag:s21] =	ssyncset.done $0x0  }
.LBB2_2:
0x30: {  	s25 =	sshra.s32 s23, $0x2  }
0x31: {  	[sflag:s21] =	ssyncadd.s32 $0xFFFFF800;
	s23 =	smov.u32 s24;
	s26 =	sadd.s32 $0x800, s24  }
0x32: {  	[tilespmem:s14], [sflag:$0x1] =	stream.indirect.gather [hbm4b:s3+s13], $0x10, s25, s13, $0xb8;
	[tilespmem:$0x10E00] =	vst v63  }
0x33: {  	p0 =	sne.s32 s24, $0x9800;
	s24 =	sadd.s32 $0x80, s25  }
0x34: {  	[tilespmem:s15], [sflag:$0x2] =	stream.indirect.gather [hbm4b:s3+s13], $0x10, s24, s13, $0xb8;
	[tilespmem:$0x10E00] =	vst v63  }
0x35: {  	s24 =	sadd.s32 $0x100, s25  }
0x36: {  	[tilespmem:s16], [sflag:$0x3] =	stream.indirect.gather [hbm4b:s3+s13], $0x10, s24, s13, $0xb8;
	[tilespmem:$0x10E00] =	vst v63  }
0x37: {  	s24 =	sadd.s32 $0x180, s25  }
0x38: {  	[tilespmem:s17], [sflag:$0x4] =	stream.indirect.gather [hbm4b:s3+s13], $0x10, s24, s13, $0xb8;
	[tilespmem:$0x10E00] =	vst v63  }
0x39: {  	_ =	swait.ge [sflag:s18], $0x800  }
0x3a: {  	[sflag:s18] =	ssyncset.done $0x0  }
0x3b: {  	[sflag:s18] =	ssyncadd.s32 $0xFFFFF800  }
0x3c: {  	_ =	swait.ge [sflag:s19], $0x800  }
0x3d: {  	[sflag:s19] =	ssyncset.done $0x0  }
0x3e: {  	[sflag:s19] =	ssyncadd.s32 $0xFFFFF800  }
.Ltmp0:
0x3f: {  	_ =	swait.ge [sflag:s20], $0x800;
	(pc) =	sbr.rel @p0 .LBB2_2-.Ltmp0, $4  }
0x40: {  	[sflag:s20] =	ssyncset.done $0x0  }
0x41: {  	[sflag:s20] =	ssyncadd.s32 $0xFFFFF800  }
0x42: {  	_ =	swait.ge [sflag:s21], $0x800  }
0x43: {  	s24 =	smov.u32 s26;
	[sflag:s21] =	ssyncset.done $0x0  }
0x44: {  	s23 =	sshra.s32 s23, $0x2;
	[sflag:s21] =	ssyncadd.s32 $0xFFFFF800  }
0x45: {  	[tilespmem:s14], [sflag:$0x1] =	stream.indirect.gather [hbm4b:s3+s13], $0x10, s23, s13, $0xb8;
	[tilespmem:$0x10E00] =	vst v63  }
0x46: {  	s24 =	sadd.s32 $0x80, s23  }
0x47: {  	[tilespmem:s15], [sflag:$0x2] =	stream.indirect.gather [hbm4b:s3+s13], $0x10, s24, s13, $0xb8;
	[tilespmem:$0x10E00] =	vst v63  }
0x48: {  	s31 =	sadd.s32 $0x100, s23  }
0x49: {  	[tilespmem:s16], [sflag:$0x3] =	stream.indirect.gather [hbm4b:s3+s13], $0x10, s31, s13, $0xb8;
	[tilespmem:$0x10E00] =	vst v63  }
0x4a: {  	s23 =	sadd.s32 $0x180, s23  }
0x4b: {  	[tilespmem:s17], [sflag:$0x4] =	stream.indirect.gather [hbm4b:s3+s13], $0x10, s23, s13, $0xb8;
	[tilespmem:$0x10E00] =	vst v63  }
0x4c: {  	_ =	swait.ge [sflag:s18], $0x800  }
0x4d: {  	[sflag:s18] =	ssyncset.done $0x0  }
0x4e: {  	[sflag:s18] =	ssyncadd.s32 $0xFFFFF800  }
0x4f: {  	_ =	swait.ge [sflag:s19], $0x800  }
0x50: {  	[sflag:s19] =	ssyncset.done $0x0  }
0x51: {  	[sflag:s19] =	ssyncadd.s32 $0xFFFFF800  }
0x52: {  	_ =	swait.ge [sflag:s20], $0x800  }
0x53: {  	[sflag:s20] =	ssyncset.done $0x0  }
0x54: {  	[sflag:s20] =	ssyncadd.s32 $0xFFFFF800  }
0x55: {  	_ =	swait.ge [sflag:s21], $0x800  }
0x56: {  	s22 =	sadd.s32 $0x1, s22;
	[sflag:s21] =	ssyncset.done $0x0  }
0x57: {  	p0 =	sne.s32 s22, s9;
	[sflag:s21] =	ssyncadd.s32 $0xFFFFF800  }
.Ltmp1:
0x58: {  	[bflag:$0x0] =	sbarrier.arrive $0xFFFF;
	(pc) =	sbr.rel @p0 .LBB2_1-.Ltmp1, $4  }
0x59: {  	[hbm:s8], [sflag:s5] =	dma.local [spmem:s10], $0x13C0  }
0x5a: {  	_ =	swait.ge [sflag:s11], $0x13C0  }
0x5b: {  	[sflag:s11] =	ssyncset.done $0x0  }
0x5c: {  	[sflag:s11] =	ssyncadd.s32 $0xFFFFEC40  }
0x5d: {  	_ =	sfence.sel $0x180000  }
0x5e: {  	[bflag:$0x0] =	sbarrier.arrive $0xFFFF  }
0x5f: {  	p0 =	sne.s32 s0, $0x0;
	_ =	strace $0x9000004A  }
0x60: {  	s0 =	sadd.s32 @!p0 $0x100000, s1;
	[bflag:$0x2] =	sbarrier.arrive $0xFFFF  }
0x61: {  	[sflag:s0] =	ssyncadd.tile.s32 @!p0 $0x1;
	_ =	shalt  }
.Lfunc_end2:
_tile_overlayer_lowered:
.L_overlay_start_2:
0x62: {  	(tag) =	ssettag $0x2  }
0x63: {  	s0 =	rddreg [dreg:$0x0];
	s2 =	stileid.u32  }
0x64: {  	s1 =	rddreg [dreg:$0x1];
	p0 =	sne.s32 s2, $0x0  }
0x65: {  	s3 =	rddreg [dreg:$0x2];
	[bflag:$0x3] =	sbarrier.arrive $0xFFFF;
	s2 =	simm.s32 @!p0 $0x1C05  }
0x66: {  	[timem:s3], [sflag:s2] =	dma.local @!p0 [hbm:s0], s1  }
0x67: {  	s0 =	simm.s32 @!p0 $0x5  }
0x68: {  	_ =	swait.ge @!p0 [sflag:s0], s1  }
0x69: {  	s1 =	ssub.s32 @!p0 $0x0, s1;
	[sflag:s0] =	ssyncset.done @!p0 $0x0  }
0x6a: {  	[sflag:s0] =	ssyncadd.s32 @!p0 s1  }
0x6b: {  	[bflag:$0x3] =	sbarrier.arrive $0xFFFF  }
0x6c: {  	_ =	shalt  }

// kernel: _run.15.cloned.1.call-start
scs
__scs_entry_jumppad:
0x0: {  	(pc) =	sbr.rel $0x88, $3  }
0x1: {  	(tag) =	ssettag $0x0;
	lr =	simm.s32 $0x1  }
0x2: {  	[smem:$0x3F99] =	sst lr;
	_ =	strace $0xD0000000  }
0x3: {  	_ = 	snop  }
0x4: {  	_ = 	snop  }
0x5: {  	_ = 	snop  }
0x6: {  	_ = 	snop  }
0x7: {  	_ = 	snop  }
__scs_overlays_trampoline_lowered:
0x8: {  	[smem:$0x3FA8] =	sst s0  }
0x9: {  	[smem:$0x3FA9] =	sst s1  }
0xa: {  	[smem:$0x3FAA] =	sst s2  }
0xb: {  	[smem:$0x3FAB] =	sst s3  }
0xc: {  	[smem:$0x3FAC] =	sst s4  }
0xd: {  	[smem:$0x3FAD] =	sst s5  }
0xe: {  	[smem:$0x3FAE] =	sst s6  }
0xf: {  	[smem:$0x3FAF] =	sst s7  }
0x10: {  	[smem:$0x3FB0] =	sst s8  }
0x11: {  	[smem:$0x3FB1] =	sst s9;
	s0 =	simm.s32 @!p0 $0x0  }
0x12: {  	s1 =	sld [smem:$0x3F97];
	s0 =	simm.s32 @p0 $0x1  }
0x13: {  	[smem:$0x3FB2] =	sst s0;
	s0 =	simm.s32 @!p1 $0x0  }
0x14: {  	s2 =	sld [smem:$0x3F96];
	s0 =	simm.s32 @p1 $0x1  }
0x15: {  	[smem:$0x3FB3] =	sst s0;
	s0 =	simm.s32 @!p2 $0x0  }
0x16: {  	s3 =	sld [smem:$0x3FDB];
	s0 =	simm.s32 @p2 $0x1  }
0x17: {  	s4 =	simm.s32 $0x1BF5;
	[smem:$0x3FB5] =	sst s0  }
0x18: {  	s0 =	sld [smem:$0x3F98];
	_ =	swait.ge [sflag:s4], $0x0  }
0x19: {  	s7 =	sld [smem:$0x3F99]  }
0x1a: {  	s8 =	sadd.s32 $0xFFFFE003, lr  }
0x1b: {  	s9 =	sadd.s32 $0xFFFFFEF7, lr;
	s5 =	simm.s32 $0xFFFFFFFF;
	p2 =	slt.u32 s8, $0xFFFFF086  }
0x1c: {  	p1 =	slt.u32 s9, $0xF7A;
	s5 =	simm.s32 @!p2 $0x0  }
0x1d: {  	s5 =	simm.s32 @p1 $0x1;
	p0 =	seq.s32 s7, s2  }
0x1e: {  	s7 =	smul.u32 @!p0 $0xF7A, s2;
	p2 =	seq.s32 @!p0 s5, $0x0  }
0x1f: {  	s9 =	smul.u32 $0xF7A, s1;
	s8 =	simm.s32 @!p0 $0x1BF5;
	p2 =	por !p2, p0  }
0x20: {  	[sflag:s8] =	ssyncset.s32 @!p0 $0xFFFFF086;
	s6 =	sadd.s32 @!p0 s3, s7;
	s7 =	simm.s32 @!p0 $0x108  }
0x21: {  	s3 =	sadd.s32 s3, s9;
	s6 =	sadd.s32 @!p0 $0x88, s6;
	s7 =	simm.s32 @p2 $0x1082  }
0x22: {  	[simem:s7], [sflag:s8] =	dma.local @!p0 [hbm:s6], $0xF7A  }
0x23: {  	s9 =	sor.u32 $0xD0000000, s2;
	s6 =	simm.s32 $0x108;
	_ =	swait.ge @!p0 [sflag:s8], $0x0  }
0x24: {  	s3 =	sadd.s32 $0x88, s3;
	s6 =	simm.s32 @!p1 $0x1082;
	[sflag:s4] =	ssyncset.s32 $0xFFFFF086  }
0x25: {  	[simem:s6], [sflag:s4] =	dma.local [hbm:s3], $0xF7A  }
0x26: {  	[smem:$0x3F99] =	sst s1;
	(tag) =	ssettag s2;
	_ =	strace s9  }
0x27: {  	s1 =	sld [smem:$0x3FA9]  }
0x28: {  	s2 =	sld [smem:$0x3FAA]  }
0x29: {  	s4 =	sld [smem:$0x3FAC]  }
0x2a: {  	p0 =	seq.s32 s5, $0x0;
	s5 =	sld [smem:$0x3FAD]  }
0x2b: {  	s6 =	sld [smem:$0x3FAE]  }
0x2c: {  	s7 =	sld [smem:$0x3FAF]  }
0x2d: {  	s3 =	simm.s32 $0x108;
	s8 =	sld [smem:$0x3FB0]  }
0x2e: {  	s3 =	simm.s32 @!p0 $0x1082;
	s9 =	sld [smem:$0x3FB1]  }
0x2f: {  	lr =	sadd.s32 s0, s3;
	s0 =	sld [smem:$0x3FA8]  }
0x30: {  	s3 =	sld [smem:$0x3FAB]  }
0x31: {  	[smem:$0x3FB4] =	sst s10  }
0x32: {  	s10 =	sld [smem:$0x3FB2];
	_ =	sdelay $0x3  }
0x33: {  	p0 =	seq.s32 s10, $0x1;
	s10 =	sld [smem:$0x3FB4];
	_ =	sdelay $0x3  }
0x34: {  	[smem:$0x3FB4] =	sst s10  }
0x35: {  	s10 =	sld [smem:$0x3FB3];
	_ =	sdelay $0x3  }
0x36: {  	p1 =	seq.s32 s10, $0x1;
	s10 =	sld [smem:$0x3FB4];
	_ =	sdelay $0x3  }
0x37: {  	[smem:$0x3FB4] =	sst s10  }
0x38: {  	s10 =	sld [smem:$0x3FB5]  }
0x39: {  	_ = 	snop;
	(pc) =	sbr.ind lr, $3  }
0x3a: {  	_ = 	snop  }
0x3b: {  	_ = 	snop  }
0x3c: {  	p2 =	seq.s32 s10, $0x1;
	s10 =	sld [smem:$0x3FB4]  }
0x3d: {  	_ =	shalt  }
0x3e: {  	_ =	shalt  }
0x3f: {  	_ =	shalt  }
0x40: {  	_ =	shalt  }
0x41: {  	_ =	shalt  }
0x42: {  	_ =	shalt  }
0x43: {  	_ =	shalt  }
0x44: {  	_ =	shalt  }
0x45: {  	_ =	shalt  }
0x46: {  	_ =	shalt  }
0x47: {  	_ =	shalt  }
0x48: {  	_ =	shalt  }
0x49: {  	_ =	shalt  }
0x4a: {  	_ =	shalt  }
0x4b: {  	_ =	shalt  }
0x4c: {  	_ =	shalt  }
0x4d: {  	_ =	shalt  }
0x4e: {  	_ =	shalt  }
0x4f: {  	_ =	shalt  }
0x50: {  	_ =	shalt  }
0x51: {  	_ =	shalt  }
0x52: {  	_ =	shalt  }
0x53: {  	_ =	shalt  }
0x54: {  	_ =	shalt  }
0x55: {  	_ =	shalt  }
0x56: {  	_ =	shalt  }
0x57: {  	_ =	shalt  }
0x58: {  	_ =	shalt  }
0x59: {  	_ =	shalt  }
0x5a: {  	_ =	shalt  }
0x5b: {  	_ =	shalt  }
0x5c: {  	_ =	shalt  }
0x5d: {  	_ =	shalt  }
0x5e: {  	_ =	shalt  }
0x5f: {  	_ =	shalt  }
0x60: {  	_ =	shalt  }
0x61: {  	_ =	shalt  }
0x62: {  	_ =	shalt  }
0x63: {  	_ =	shalt  }
0x64: {  	_ =	shalt  }
0x65: {  	_ =	shalt  }
0x66: {  	_ =	shalt  }
0x67: {  	_ =	shalt  }
0x68: {  	_ =	shalt  }
0x69: {  	_ =	shalt  }
0x6a: {  	_ =	shalt  }
0x6b: {  	_ =	shalt  }
0x6c: {  	_ =	shalt  }
0x6d: {  	_ =	shalt  }
0x6e: {  	_ =	shalt  }
0x6f: {  	_ =	shalt  }
0x70: {  	_ =	shalt  }
0x71: {  	_ =	shalt  }
0x72: {  	_ =	shalt  }
0x73: {  	_ =	shalt  }
0x74: {  	_ =	shalt  }
0x75: {  	_ =	shalt  }
0x76: {  	_ =	shalt  }
0x77: {  	_ =	shalt  }
0x78: {  	_ =	shalt  }
0x79: {  	_ =	shalt  }
0x7a: {  	_ =	shalt  }
0x7b: {  	_ =	shalt  }
0x7c: {  	_ =	shalt  }
0x7d: {  	_ =	shalt  }
0x7e: {  	_ =	shalt  }
0x7f: {  	_ =	shalt  }
0x80: {  	_ =	shalt  }
0x81: {  	_ =	shalt  }
0x82: {  	_ =	shalt  }
0x83: {  	_ =	shalt  }
0x84: {  	_ =	shalt  }
0x85: {  	_ =	shalt  }
0x86: {  	_ =	shalt  }
0x87: {  	_ =	shalt  }
.Lfunc_end0:
.L_simem_size_0:
called_computation.2_lowered:
.L_overlay_start_0:
0x88: {  	s2 =	sld [smem:$0x3FD9]  }
0x89: {  	s3 =	sld [smem:$0x3FFE];
	_ =	sdelay $0x1  }
0x8a: {  	s1 =	srdreg.scid  }
0x8b: {  	s0 =	sand.u32 $0x1, s1  }
0x8c: {  	s16 =	sshll.u32 s0, $0xA;
	s2 =	sadd.s32 s3, s2  }
0x8d: {  	s2 =	sadd.s32 s2, s16  }
0x8e: {  	[smem:$0x3FC0] =	sst s2  }
0x8f: {  	_ = 	snop  }
0x90: {  	(tm) =	ssettm $0x1  }
0x91: {  	s17 =	sld [smem:$0x3FFB];
	_ =	sdelay $0x3  }
0x92: {  	_ =	strace s17  }
0x93: {  	s2 =	sld [smem:$0x3FFC];
	_ =	sdelay $0x3  }
0x94: {  	_ =	strace s2  }
0x95: {  	s2 =	sld [smem:$0x3FFD];
	_ =	sdelay $0x3  }
0x96: {  	_ =	strace s2  }
0x97: {  	_ =	strace $0x8FFFFFFF  }
0x98: {  	s18 =	sld [smem:$0x3FDB];
	_ =	sdelay $0x1  }
0x99: {  	s19 =	simm.s32 $_scs_section_size  }
0x9a: {  	s4 =	simm.s32 $_size__tile_overlayer_lowered;
	s5 =	simm.s32 $_tile_overlayer_lowered  }
0x9b: {  	s22 =	simm.s32 $0x1BFF;
	s21 =	sshll.u32 s5, $0x1;
	s2 =	sadd.s32 s19, s18  }
0x9c: {  	s6 =	simm.s32 $0x0;
	s20 =	sshll.u32 s4, $0x1;
	s4 =	sadd.s32 s21, s2  }
0x9d: {  	[timem:s6], [sflag:s22] =	dma.local [hbm:s4], s20  }
0x9e: {  	_ =	swait.ge [sflag:s22], s20  }
0x9f: {  	s3 =	ssub.s32 $0x0, s20;
	[sflag:s22] =	ssyncset.done $0x0  }
0xa0: {  	[sflag:s22] =	ssyncadd.s32 s3;
	_ =	sdelay $0x1  }
0xa1: {  	s23 =	simm.s32 $0x1B8B  }
0xa2: {  	_ =	swait.ge [sflag:s23], $0x1  }
0xa3: {  	[sflag:s23] =	ssyncset.done $0x0  }
0xa4: {  	s25 =	simm.s32 $0x1B8E;
	s24 =	sld [smem:$0x3FFE];
	[sflag:s23] =	ssyncadd.s32 $0xFFFFFFFF  }
0xa5: {  	s26 =	simm.s32 $execute0_lowered;
	[smem:$0x3FD2] =	sst s25  }
0xa6: {  	s4 =	sshll.u32 s26, $0x1;
	_ =	strace $0x8000004C;
	[dreg:$0x1] =	wrdreg $0xFFFFFFFF  }
0xa7: {  	s28 =	simm.s32 $_size_execute0_lowered;
	s2 =	sadd.s32 s2, s4;
	[dreg:$0x0] =	wrdreg $0x0  }
0xa8: {  	s4 =	sshll.u32 s28, $0x1;
	[dreg:$0x2] =	wrdreg s2  }
0xa9: {  	[dreg:$0x3] =	wrdreg s4  }
0xaa: {  	[dreg:$0x4] =	wrdreg $0xC0  }
0xab: {  	_ =	task [dreg:s6], $0x5FFFF  }
0xac: {  	[dreg:$0x1] =	wrdreg $0xFFFFFFFF  }
0xad: {  	[dreg:$0x0] =	wrdreg $0x60  }
0xae: {  	[dreg:$0x2] =	wrdreg s24  }
0xaf: {  	[dreg:$0x3] =	wrdreg $0xD0000  }
0xb0: {  	[dreg:$0x4] =	wrdreg $0x9  }
0xb1: {  	_ =	task.clear_ibuf [dreg:s6], $0x5FFFF;
	_ =	strace $0x9000004C  }
0xb2: {  	s29 =	simm.s32 $0x9;
	_ =	strace $0x8000004E  }
0xb3: {  	_ =	swait.ge [sflag:s29], $0x1  }
0xb4: {  	[sflag:s29] =	ssyncadd.s32 $0xFFFFFFFF  }
0xb5: {  	_ =	strace $0x9000004E  }
0xb6: {  	_ =	sfence  }
0xb7: {  	s30 =	sld [smem:$0x0];
	_ =	sdelay $0x2  }
0xb8: {  	s31 =	sshll.u32 s1, $0xD;
	s1 =	sshrl.u32 s1, $0x2  }
0xb9: {  	s3 =	sand.u32 $0x4000, s31;
	s1 =	sadd.s32 s1, s30  }
0xba: {  	s0 =	sor.u32 s3, s0;
	s1 =	sshll.u32 s1, $0x11  }
0xbb: {  	s0 =	sor.u32 s1, s0  }
0xbc: {  	s0 =	sadd.s32 $0x8F2B, s0  }
0xbd: {  	[sflag:s0] =	ssyncadd.remote.s32 $0x1  }
0xbe: {  	_ =	sfence.sel $0xFFFF  }
0xbf: {  	[dreg:$0x0] =	wrdreg $0xFFFFFFFF;
	(pc) =	sbr.abs _section_cstart, $3  }
0xc0: {  	[dreg:$0x1] =	wrdreg $0xFFFFFFFF  }
0xc1: {  	_ =	task.clear_ibuf [dreg:s6], $0x2FFFF;
	_ =	strace $0x9FFFFFFF  }
0xc2: {  	(tm) =	ssettm $0x7FFFFFFF  }
0xc3: {  	_ =	shalt  }
tec
execute0_lowered:
.L_overlay_start_1:
0x0: {  	(tag) =	ssettag $0x1  }
0x1: {  	s5 =	rddreg [dreg:$0x0]  }
0x2: {  	s0 =	srdreg.scid;
	s6 =	rddreg [dreg:$0x1]  }
0x3: {  	s2 =	simm.s32 $0x0;
	s13 =	simm.s32 $0x80;
	s14 =	simm.s32 $0x5000  }
0x4: {  	s15 =	simm.s32 $0x7000;
	s16 =	simm.s32 $0x9000;
	s17 =	simm.s32 $0xB000  }
0x5: {  	s18 =	simm.s32 $0x1;
	s19 =	simm.s32 $0x2;
	s20 =	simm.s32 $0x3  }
0x6: {  	s21 =	simm.s32 $0x4;
	s4 =	sand.u32 $0x1, s0;
	s0 =	stileid.u32  }
0x7: {  	s22 =	simm.s32 $0x0;
	[smem:$0x7FF] =	sst s2;
	s8 =	smul.u32 $0x9E00, s0  }
0x8: {  	s3 =	sadd.s32 $0x4BC00, s5;
	s1 =	sshll.u32 s4, $0x4;
	s9 =	smul.u32 $0x9E000, s4  }
0x9: {  	s4 =	ssub.s32 $0x2, s4;
	s31 =	sshll.u32 s0, $0x6;
	s1 =	sor.u32 s0, s1  }
0xa: {  	s11 =	sshrl.u32 s4, $0x1;
	s7 =	smul.u32 $0x500, s1;
	s1 =	rddreg [dreg:$0x2]  }
0xb: {  	_ =	strace $0x8000004D;
	s9 =	sadd.s32 s8, s9;
	s10 =	sshrl.u32 s8, $0x3  }
0xc: {  	s11 =	ssub.s32 s4, s11;
	s12 =	sadd.s32 s8, s6;
	s9 =	sshrl.u32 s9, $0x3  }
0xd: {  	s10 =	sadd.s32 s10, s5;
	s7 =	sadd.s32 s7, s5;
	s9 =	sadd.s32 s9, s5  }
0xe: {  	s4 =	sadd.s32 $0x5F600, s10;
	s5 =	sor.u32 $0x1C05, s31;
	s10 =	sshrl.u32 s12, $0x3  }
0xf: {  	s12 =	simm.s32 $0x2800;
	s6 =	sadd.s32 $0x41C00, s7;
	s7 =	sadd.s32 $0x1C00, s7  }
0x10: {  	s8 =	sadd.s32 $0x73200, s9;
	s9 =	smax.u32 s11, $0x1;
	s11 =	simm.s32 $0x5  }
.LBB2_1:
0x11: {  	[spmem:s10], [sflag:s5] =	dma.local [hbm:s4], $0x13C0  }
0x12: {  	_ =	swait.ge [sflag:s11], $0x13C0  }
0x13: {  	[sflag:s11] =	ssyncset.done $0x0  }
0x14: {  	[sflag:s11] =	ssyncadd.s32 $0xFFFFEC40  }
0x15: {  	[tilespmem:s2], [sflag:$0x5] =	stream.linear.gather [hbm4b:s6+s2], $0x2800, $0x38;
	[tilespmem:$0x16E00] =	vst v63  }
0x16: {  	_ =	swait.ge [sflag:s11], $0x2800  }
0x17: {  	[sflag:s11] =	ssyncset.done $0x0  }
0x18: {  	[sflag:s11] =	ssyncadd.s32 $0xFFFFD800  }
0x19: {  	[tilespmem:s12], [sflag:$0x5] =	stream.linear.gather [hbm4b:s7+s2], $0x2800, $0x38;
	[tilespmem:$0x16E00] =	vst v63  }
0x1a: {  	_ =	swait.ge [sflag:s11], $0x2800  }
0x1b: {  	[sflag:s11] =	ssyncset.done $0x0  }
0x1c: {  	[sflag:s11] =	ssyncadd.s32 $0xFFFFD800  }
0x1d: {  	s23 =	simm.s32 $0x0;
	[bflag:$0x0] =	sbarrier.arrive $0xFFFF  }
0x1e: {  	[tilespmem:s14], [sflag:$0x1] =	stream.indirect.gather [hbm4b:s3+s13], $0x40, s23, s13, $0xb8;
	[tilespmem:$0x16E00] =	vst v63  }
0x1f: {  	s29 =	simm.s32 $0x80  }
0x20: {  	[tilespmem:s15], [sflag:$0x2] =	stream.indirect.gather [hbm4b:s3+s13], $0x40, s29, s13, $0xb8;
	[tilespmem:$0x16E00] =	vst v63  }
0x21: {  	s30 =	simm.s32 $0x100  }
0x22: {  	[tilespmem:s16], [sflag:$0x3] =	stream.indirect.gather [hbm4b:s3+s13], $0x40, s30, s13, $0xb8;
	[tilespmem:$0x16E00] =	vst v63  }
0x23: {  	s31 =	simm.s32 $0x180  }
0x24: {  	[tilespmem:s17], [sflag:$0x4] =	stream.indirect.gather [hbm4b:s3+s13], $0x40, s31, s13, $0xb8;
	[tilespmem:$0x16E00] =	vst v63  }
0x25: {  	_ =	swait.ge [sflag:s18], $0x2000  }
0x26: {  	[sflag:s18] =	ssyncset.done $0x0  }
0x27: {  	[sflag:s18] =	ssyncadd.s32 $0xFFFFE000  }
0x28: {  	_ =	swait.ge [sflag:s19], $0x2000  }
0x29: {  	[sflag:s19] =	ssyncset.done $0x0  }
0x2a: {  	[sflag:s19] =	ssyncadd.s32 $0xFFFFE000  }
0x2b: {  	_ =	swait.ge [sflag:s20], $0x2000  }
0x2c: {  	[sflag:s20] =	ssyncset.done $0x0  }
0x2d: {  	[sflag:s20] =	ssyncadd.s32 $0xFFFFE000  }
0x2e: {  	_ =	swait.ge [sflag:s21], $0x2000  }
0x2f: {  	s24 =	simm.s32 $0x1000;
	s23 =	simm.s32 $0x800;
	[sflag:s21] =	ssyncset.done $0x0  }
.LBB2_2:
0x30: {  	s25 =	sshra.s32 s23, $0x2  }
0x31: {  	[sflag:s21] =	ssyncadd.s32 $0xFFFFE000;
	s23 =	smov.u32 s24;
	s26 =	sadd.s32 $0x800, s24  }
0x32: {  	[tilespmem:s14], [sflag:$0x1] =	stream.indirect.gather [hbm4b:s3+s13], $0x40, s25, s13, $0xb8;
	[tilespmem:$0x16E00] =	vst v63  }
0x33: {  	p0 =	sne.s32 s24, $0x9800;
	s24 =	sadd.s32 $0x80, s25  }
0x34: {  	[tilespmem:s15], [sflag:$0x2] =	stream.indirect.gather [hbm4b:s3+s13], $0x40, s24, s13, $0xb8;
	[tilespmem:$0x16E00] =	vst v63  }
0x35: {  	s24 =	sadd.s32 $0x100, s25  }
0x36: {  	[tilespmem:s16], [sflag:$0x3] =	stream.indirect.gather [hbm4b:s3+s13], $0x40, s24, s13, $0xb8;
	[tilespmem:$0x16E00] =	vst v63  }
0x37: {  	s24 =	sadd.s32 $0x180, s25  }
0x38: {  	[tilespmem:s17], [sflag:$0x4] =	stream.indirect.gather [hbm4b:s3+s13], $0x40, s24, s13, $0xb8;
	[tilespmem:$0x16E00] =	vst v63  }
0x39: {  	_ =	swait.ge [sflag:s18], $0x2000  }
0x3a: {  	[sflag:s18] =	ssyncset.done $0x0  }
0x3b: {  	[sflag:s18] =	ssyncadd.s32 $0xFFFFE000  }
0x3c: {  	_ =	swait.ge [sflag:s19], $0x2000  }
0x3d: {  	[sflag:s19] =	ssyncset.done $0x0  }
0x3e: {  	[sflag:s19] =	ssyncadd.s32 $0xFFFFE000  }
.Ltmp0:
0x3f: {  	_ =	swait.ge [sflag:s20], $0x2000;
	(pc) =	sbr.rel @p0 .LBB2_2-.Ltmp0, $4  }
0x40: {  	[sflag:s20] =	ssyncset.done $0x0  }
0x41: {  	[sflag:s20] =	ssyncadd.s32 $0xFFFFE000  }
0x42: {  	_ =	swait.ge [sflag:s21], $0x2000  }
0x43: {  	s24 =	smov.u32 s26;
	[sflag:s21] =	ssyncset.done $0x0  }
0x44: {  	s23 =	sshra.s32 s23, $0x2;
	[sflag:s21] =	ssyncadd.s32 $0xFFFFE000  }
0x45: {  	[tilespmem:s14], [sflag:$0x1] =	stream.indirect.gather [hbm4b:s3+s13], $0x40, s23, s13, $0xb8;
	[tilespmem:$0x16E00] =	vst v63  }
0x46: {  	s24 =	sadd.s32 $0x80, s23  }
0x47: {  	[tilespmem:s15], [sflag:$0x2] =	stream.indirect.gather [hbm4b:s3+s13], $0x40, s24, s13, $0xb8;
	[tilespmem:$0x16E00] =	vst v63  }
0x48: {  	s31 =	sadd.s32 $0x100, s23  }
0x49: {  	[tilespmem:s16], [sflag:$0x3] =	stream.indirect.gather [hbm4b:s3+s13], $0x40, s31, s13, $0xb8;
	[tilespmem:$0x16E00] =	vst v63  }
0x4a: {  	s23 =	sadd.s32 $0x180, s23  }
0x4b: {  	[tilespmem:s17], [sflag:$0x4] =	stream.indirect.gather [hbm4b:s3+s13], $0x40, s23, s13, $0xb8;
	[tilespmem:$0x16E00] =	vst v63  }
0x4c: {  	_ =	swait.ge [sflag:s18], $0x2000  }
0x4d: {  	[sflag:s18] =	ssyncset.done $0x0  }
0x4e: {  	[sflag:s18] =	ssyncadd.s32 $0xFFFFE000  }
0x4f: {  	_ =	swait.ge [sflag:s19], $0x2000  }
0x50: {  	[sflag:s19] =	ssyncset.done $0x0  }
0x51: {  	[sflag:s19] =	ssyncadd.s32 $0xFFFFE000  }
0x52: {  	_ =	swait.ge [sflag:s20], $0x2000  }
0x53: {  	[sflag:s20] =	ssyncset.done $0x0  }
0x54: {  	[sflag:s20] =	ssyncadd.s32 $0xFFFFE000  }
0x55: {  	_ =	swait.ge [sflag:s21], $0x2000  }
0x56: {  	s22 =	sadd.s32 $0x1, s22;
	[sflag:s21] =	ssyncset.done $0x0  }
0x57: {  	p0 =	sne.s32 s22, s9;
	[sflag:s21] =	ssyncadd.s32 $0xFFFFE000  }
.Ltmp1:
0x58: {  	[bflag:$0x0] =	sbarrier.arrive $0xFFFF;
	(pc) =	sbr.rel @p0 .LBB2_1-.Ltmp1, $4  }
0x59: {  	[hbm:s8], [sflag:s5] =	dma.local [spmem:s10], $0x13C0  }
0x5a: {  	_ =	swait.ge [sflag:s11], $0x13C0  }
0x5b: {  	[sflag:s11] =	ssyncset.done $0x0  }
0x5c: {  	[sflag:s11] =	ssyncadd.s32 $0xFFFFEC40  }
0x5d: {  	_ =	sfence.sel $0x180000  }
0x5e: {  	[bflag:$0x0] =	sbarrier.arrive $0xFFFF  }
0x5f: {  	p0 =	sne.s32 s0, $0x0;
	_ =	strace $0x9000004D  }
0x60: {  	s0 =	sadd.s32 @!p0 $0x100000, s1;
	[bflag:$0x2] =	sbarrier.arrive $0xFFFF  }
0x61: {  	[sflag:s0] =	ssyncadd.tile.s32 @!p0 $0x1;
	_ =	shalt  }
.Lfunc_end2:
_tile_overlayer_lowered:
.L_overlay_start_2:
0x62: {  	(tag) =	ssettag $0x2  }
0x63: {  	s0 =	rddreg [dreg:$0x0];
	s2 =	stileid.u32  }
0x64: {  	s1 =	rddreg [dreg:$0x1];
	p0 =	sne.s32 s2, $0x0  }
0x65: {  	s3 =	rddreg [dreg:$0x2];
	[bflag:$0x3] =	sbarrier.arrive $0xFFFF;
	s2 =	simm.s32 @!p0 $0x1C05  }
0x66: {  	[timem:s3], [sflag:s2] =	dma.local @!p0 [hbm:s0], s1  }
0x67: {  	s0 =	simm.s32 @!p0 $0x5  }
0x68: {  	_ =	swait.ge @!p0 [sflag:s0], s1  }
0x69: {  	s1 =	ssub.s32 @!p0 $0x0, s1;
	[sflag:s0] =	ssyncset.done @!p0 $0x0  }
0x6a: {  	[sflag:s0] =	ssyncadd.s32 @!p0 s1  }
0x6b: {  	[bflag:$0x3] =	sbarrier.arrive $0xFFFF  }
0x6c: {  	_ =	shalt  }

// kernel: _run.9.cloned.1.call-start
scs
__scs_entry_jumppad:
0x0: {  	(pc) =	sbr.rel $0x88, $3  }
0x1: {  	(tag) =	ssettag $0x0;
	lr =	simm.s32 $0x1  }
0x2: {  	[smem:$0x3F99] =	sst lr;
	_ =	strace $0xD0000000  }
0x3: {  	_ = 	snop  }
0x4: {  	_ = 	snop  }
0x5: {  	_ = 	snop  }
0x6: {  	_ = 	snop  }
0x7: {  	_ = 	snop  }
__scs_overlays_trampoline_lowered:
0x8: {  	[smem:$0x3FA8] =	sst s0  }
0x9: {  	[smem:$0x3FA9] =	sst s1  }
0xa: {  	[smem:$0x3FAA] =	sst s2  }
0xb: {  	[smem:$0x3FAB] =	sst s3  }
0xc: {  	[smem:$0x3FAC] =	sst s4  }
0xd: {  	[smem:$0x3FAD] =	sst s5  }
0xe: {  	[smem:$0x3FAE] =	sst s6  }
0xf: {  	[smem:$0x3FAF] =	sst s7  }
0x10: {  	[smem:$0x3FB0] =	sst s8  }
0x11: {  	[smem:$0x3FB1] =	sst s9;
	s0 =	simm.s32 @!p0 $0x0  }
0x12: {  	s1 =	sld [smem:$0x3F97];
	s0 =	simm.s32 @p0 $0x1  }
0x13: {  	[smem:$0x3FB2] =	sst s0;
	s0 =	simm.s32 @!p1 $0x0  }
0x14: {  	s2 =	sld [smem:$0x3F96];
	s0 =	simm.s32 @p1 $0x1  }
0x15: {  	[smem:$0x3FB3] =	sst s0;
	s0 =	simm.s32 @!p2 $0x0  }
0x16: {  	s3 =	sld [smem:$0x3FDB];
	s0 =	simm.s32 @p2 $0x1  }
0x17: {  	s4 =	simm.s32 $0x1BF5;
	[smem:$0x3FB5] =	sst s0  }
0x18: {  	s0 =	sld [smem:$0x3F98];
	_ =	swait.ge [sflag:s4], $0x0  }
0x19: {  	s7 =	sld [smem:$0x3F99]  }
0x1a: {  	s8 =	sadd.s32 $0xFFFFE003, lr  }
0x1b: {  	s9 =	sadd.s32 $0xFFFFFEF7, lr;
	s5 =	simm.s32 $0xFFFFFFFF;
	p2 =	slt.u32 s8, $0xFFFFF086  }
0x1c: {  	p1 =	slt.u32 s9, $0xF7A;
	s5 =	simm.s32 @!p2 $0x0  }
0x1d: {  	s5 =	simm.s32 @p1 $0x1;
	p0 =	seq.s32 s7, s2  }
0x1e: {  	s7 =	smul.u32 @!p0 $0xF7A, s2;
	p2 =	seq.s32 @!p0 s5, $0x0  }
0x1f: {  	s9 =	smul.u32 $0xF7A, s1;
	s8 =	simm.s32 @!p0 $0x1BF5;
	p2 =	por !p2, p0  }
0x20: {  	[sflag:s8] =	ssyncset.s32 @!p0 $0xFFFFF086;
	s6 =	sadd.s32 @!p0 s3, s7;
	s7 =	simm.s32 @!p0 $0x108  }
0x21: {  	s3 =	sadd.s32 s3, s9;
	s6 =	sadd.s32 @!p0 $0x88, s6;
	s7 =	simm.s32 @p2 $0x1082  }
0x22: {  	[simem:s7], [sflag:s8] =	dma.local @!p0 [hbm:s6], $0xF7A  }
0x23: {  	s9 =	sor.u32 $0xD0000000, s2;
	s6 =	simm.s32 $0x108;
	_ =	swait.ge @!p0 [sflag:s8], $0x0  }
0x24: {  	s3 =	sadd.s32 $0x88, s3;
	s6 =	simm.s32 @!p1 $0x1082;
	[sflag:s4] =	ssyncset.s32 $0xFFFFF086  }
0x25: {  	[simem:s6], [sflag:s4] =	dma.local [hbm:s3], $0xF7A  }
0x26: {  	[smem:$0x3F99] =	sst s1;
	(tag) =	ssettag s2;
	_ =	strace s9  }
0x27: {  	s1 =	sld [smem:$0x3FA9]  }
0x28: {  	s2 =	sld [smem:$0x3FAA]  }
0x29: {  	s4 =	sld [smem:$0x3FAC]  }
0x2a: {  	p0 =	seq.s32 s5, $0x0;
	s5 =	sld [smem:$0x3FAD]  }
0x2b: {  	s6 =	sld [smem:$0x3FAE]  }
0x2c: {  	s7 =	sld [smem:$0x3FAF]  }
0x2d: {  	s3 =	simm.s32 $0x108;
	s8 =	sld [smem:$0x3FB0]  }
0x2e: {  	s3 =	simm.s32 @!p0 $0x1082;
	s9 =	sld [smem:$0x3FB1]  }
0x2f: {  	lr =	sadd.s32 s0, s3;
	s0 =	sld [smem:$0x3FA8]  }
0x30: {  	s3 =	sld [smem:$0x3FAB]  }
0x31: {  	[smem:$0x3FB4] =	sst s10  }
0x32: {  	s10 =	sld [smem:$0x3FB2];
	_ =	sdelay $0x3  }
0x33: {  	p0 =	seq.s32 s10, $0x1;
	s10 =	sld [smem:$0x3FB4];
	_ =	sdelay $0x3  }
0x34: {  	[smem:$0x3FB4] =	sst s10  }
0x35: {  	s10 =	sld [smem:$0x3FB3];
	_ =	sdelay $0x3  }
0x36: {  	p1 =	seq.s32 s10, $0x1;
	s10 =	sld [smem:$0x3FB4];
	_ =	sdelay $0x3  }
0x37: {  	[smem:$0x3FB4] =	sst s10  }
0x38: {  	s10 =	sld [smem:$0x3FB5]  }
0x39: {  	_ = 	snop;
	(pc) =	sbr.ind lr, $3  }
0x3a: {  	_ = 	snop  }
0x3b: {  	_ = 	snop  }
0x3c: {  	p2 =	seq.s32 s10, $0x1;
	s10 =	sld [smem:$0x3FB4]  }
0x3d: {  	_ =	shalt  }
0x3e: {  	_ =	shalt  }
0x3f: {  	_ =	shalt  }
0x40: {  	_ =	shalt  }
0x41: {  	_ =	shalt  }
0x42: {  	_ =	shalt  }
0x43: {  	_ =	shalt  }
0x44: {  	_ =	shalt  }
0x45: {  	_ =	shalt  }
0x46: {  	_ =	shalt  }
0x47: {  	_ =	shalt  }
0x48: {  	_ =	shalt  }
0x49: {  	_ =	shalt  }
0x4a: {  	_ =	shalt  }
0x4b: {  	_ =	shalt  }
0x4c: {  	_ =	shalt  }
0x4d: {  	_ =	shalt  }
0x4e: {  	_ =	shalt  }
0x4f: {  	_ =	shalt  }
0x50: {  	_ =	shalt  }
0x51: {  	_ =	shalt  }
0x52: {  	_ =	shalt  }
0x53: {  	_ =	shalt  }
0x54: {  	_ =	shalt  }
0x55: {  	_ =	shalt  }
0x56: {  	_ =	shalt  }
0x57: {  	_ =	shalt  }
0x58: {  	_ =	shalt  }
0x59: {  	_ =	shalt  }
0x5a: {  	_ =	shalt  }
0x5b: {  	_ =	shalt  }
0x5c: {  	_ =	shalt  }
0x5d: {  	_ =	shalt  }
0x5e: {  	_ =	shalt  }
0x5f: {  	_ =	shalt  }
0x60: {  	_ =	shalt  }
0x61: {  	_ =	shalt  }
0x62: {  	_ =	shalt  }
0x63: {  	_ =	shalt  }
0x64: {  	_ =	shalt  }
0x65: {  	_ =	shalt  }
0x66: {  	_ =	shalt  }
0x67: {  	_ =	shalt  }
0x68: {  	_ =	shalt  }
0x69: {  	_ =	shalt  }
0x6a: {  	_ =	shalt  }
0x6b: {  	_ =	shalt  }
0x6c: {  	_ =	shalt  }
0x6d: {  	_ =	shalt  }
0x6e: {  	_ =	shalt  }
0x6f: {  	_ =	shalt  }
0x70: {  	_ =	shalt  }
0x71: {  	_ =	shalt  }
0x72: {  	_ =	shalt  }
0x73: {  	_ =	shalt  }
0x74: {  	_ =	shalt  }
0x75: {  	_ =	shalt  }
0x76: {  	_ =	shalt  }
0x77: {  	_ =	shalt  }
0x78: {  	_ =	shalt  }
0x79: {  	_ =	shalt  }
0x7a: {  	_ =	shalt  }
0x7b: {  	_ =	shalt  }
0x7c: {  	_ =	shalt  }
0x7d: {  	_ =	shalt  }
0x7e: {  	_ =	shalt  }
0x7f: {  	_ =	shalt  }
0x80: {  	_ =	shalt  }
0x81: {  	_ =	shalt  }
0x82: {  	_ =	shalt  }
0x83: {  	_ =	shalt  }
0x84: {  	_ =	shalt  }
0x85: {  	_ =	shalt  }
0x86: {  	_ =	shalt  }
0x87: {  	_ =	shalt  }
.Lfunc_end0:
.L_simem_size_0:
called_computation_lowered:
.L_overlay_start_0:
0x88: {  	s2 =	sld [smem:$0x3FD9]  }
0x89: {  	s3 =	sld [smem:$0x3FFE];
	_ =	sdelay $0x1  }
0x8a: {  	s1 =	srdreg.scid  }
0x8b: {  	s0 =	sand.u32 $0x1, s1  }
0x8c: {  	s17 =	sshll.u32 s0, $0xA;
	s2 =	sadd.s32 s3, s2  }
0x8d: {  	s2 =	sadd.s32 s2, s17  }
0x8e: {  	[smem:$0x3FC0] =	sst s2  }
0x8f: {  	_ = 	snop  }
0x90: {  	s2 =	sld [smem:$0x3FD0];
	(tm) =	ssettm $0x1  }
0x91: {  	s18 =	sld [smem:$0x3FFB];
	_ =	sdelay $0x3  }
0x92: {  	_ =	strace s18  }
0x93: {  	s3 =	sld [smem:$0x3FFC];
	_ =	sdelay $0x3  }
0x94: {  	_ =	strace s3  }
0x95: {  	s3 =	sld [smem:$0x3FFD];
	_ =	sdelay $0x3  }
0x96: {  	_ =	strace s3  }
0x97: {  	_ =	strace $0x8FFFFFFF  }
0x98: {  	s19 =	sld [smem:$0x3FDB];
	_ =	sdelay $0x1  }
0x99: {  	s4 =	simm.s32 $_scs_section_size  }
0x9a: {  	s5 =	simm.s32 $_size__tile_overlayer_lowered;
	s6 =	simm.s32 $_tile_overlayer_lowered  }
0x9b: {  	s22 =	simm.s32 $0x1BFF;
	s21 =	sshll.u32 s6, $0x1;
	s3 =	sadd.s32 s4, s19  }
0x9c: {  	s7 =	simm.s32 $0x0;
	s20 =	sshll.u32 s5, $0x1;
	s5 =	sadd.s32 s21, s3  }
0x9d: {  	[timem:s7], [sflag:s22] =	dma.local [hbm:s5], s20  }
0x9e: {  	_ =	swait.ge [sflag:s22], s20  }
0x9f: {  	s4 =	ssub.s32 $0x0, s20;
	[sflag:s22] =	ssyncset.done $0x0  }
0xa0: {  	[sflag:s22] =	ssyncadd.s32 s4;
	_ =	sdelay $0x1  }
0xa1: {  	s23 =	simm.s32 $0x1B8B  }
0xa2: {  	_ =	swait.ge [sflag:s23], $0x1  }
0xa3: {  	[sflag:s23] =	ssyncset.done $0x0  }
0xa4: {  	s25 =	simm.s32 $0x1B8E;
	s24 =	sld [smem:$0x3FFE];
	[sflag:s23] =	ssyncadd.s32 $0xFFFFFFFF  }
0xa5: {  	s26 =	simm.s32 $execute0_lowered;
	[smem:$0x3FD2] =	sst s25  }
0xa6: {  	s5 =	sshll.u32 s26, $0x1;
	_ =	strace $0x80000046;
	[dreg:$0x1] =	wrdreg $0xFFFFFFFF  }
0xa7: {  	s28 =	simm.s32 $_size_execute0_lowered;
	s3 =	sadd.s32 s3, s5;
	[dreg:$0x0] =	wrdreg $0x0  }
0xa8: {  	s5 =	sshll.u32 s28, $0x1;
	[dreg:$0x2] =	wrdreg s3  }
0xa9: {  	[dreg:$0x3] =	wrdreg s5  }
0xaa: {  	[dreg:$0x4] =	wrdreg $0xC0  }
0xab: {  	_ =	task [dreg:s7], $0x5FFFF  }
0xac: {  	[dreg:$0x1] =	wrdreg $0xFFFFFFFF  }
0xad: {  	[dreg:$0x0] =	wrdreg $0x60  }
0xae: {  	[dreg:$0x2] =	wrdreg s24  }
0xaf: {  	[dreg:$0x3] =	wrdreg s2  }
0xb0: {  	[dreg:$0x4] =	wrdreg $0x30000  }
0xb1: {  	[dreg:$0x5] =	wrdreg $0x9  }
0xb2: {  	_ =	task.clear_ibuf [dreg:s7], $0x6FFFF;
	_ =	strace $0x90000046  }
0xb3: {  	s29 =	simm.s32 $0x9;
	_ =	strace $0x80000048  }
0xb4: {  	_ =	swait.ge [sflag:s29], $0x1  }
0xb5: {  	[sflag:s29] =	ssyncadd.s32 $0xFFFFFFFF  }
0xb6: {  	_ =	strace $0x90000048  }
0xb7: {  	_ =	sfence  }
0xb8: {  	s30 =	sld [smem:$0x0];
	_ =	sdelay $0x2  }
0xb9: {  	s31 =	sshll.u32 s1, $0xD;
	s1 =	sshrl.u32 s1, $0x2  }
0xba: {  	s3 =	sand.u32 $0x4000, s31;
	s1 =	sadd.s32 s1, s30  }
0xbb: {  	s0 =	sor.u32 s3, s0;
	s1 =	sshll.u32 s1, $0x11  }
0xbc: {  	s0 =	sor.u32 s1, s0  }
0xbd: {  	s0 =	sadd.s32 $0x8F2B, s0  }
0xbe: {  	[sflag:s0] =	ssyncadd.remote.s32 $0x1  }
0xbf: {  	_ =	sfence.sel $0xFFFF  }
0xc0: {  	[dreg:$0x0] =	wrdreg $0xFFFFFFFF;
	(pc) =	sbr.abs _section_cstart, $3  }
0xc1: {  	[dreg:$0x1] =	wrdreg $0xFFFFFFFF  }
0xc2: {  	_ =	task.clear_ibuf [dreg:s7], $0x2FFFF;
	_ =	strace $0x9FFFFFFF  }
0xc3: {  	(tm) =	ssettm $0x7FFFFFFF  }
tec
execute0_lowered:
.L_overlay_start_1:
0x0: {  	(tag) =	ssettag $0x1  }
0x1: {  	s6 =	rddreg [dreg:$0x0]  }
0x2: {  	s0 =	srdreg.scid;
	s2 =	rddreg [dreg:$0x1]  }
0x3: {  	s3 =	rddreg [dreg:$0x2];
	s4 =	simm.s32 $0x0;
	s13 =	simm.s32 $0x80  }
0x4: {  	s14 =	simm.s32 $0x0;
	s5 =	sand.u32 $0x1, s0;
	s0 =	stileid.u32  }
0x5: {  	[smem:$0x7FF] =	sst s4;
	s1 =	sshll.u32 s5, $0x4;
	s8 =	smul.u32 $0x2780, s0  }
0x6: {  	s9 =	smul.u32 $0x27800, s5;
	s5 =	ssub.s32 $0x2, s5;
	s1 =	sor.u32 s0, s1  }
0x7: {  	s31 =	sshll.u32 s0, $0x6;
	s11 =	sshrl.u32 s5, $0x1;
	s7 =	smul.u32 $0x500, s1  }
0x8: {  	s1 =	rddreg [dreg:$0x3];
	_ =	strace $0x80000047;
	s9 =	sadd.s32 s8, s9  }
0x9: {  	s10 =	sshrl.u32 s8, $0x3;
	s11 =	ssub.s32 s5, s11;
	s12 =	sadd.s32 s8, s3  }
0xa: {  	s9 =	sshrl.u32 s9, $0x3;
	s10 =	sadd.s32 s10, s6;
	s7 =	sadd.s32 s7, s6  }
0xb: {  	s9 =	sadd.s32 s9, s6;
	s5 =	sadd.s32 $0xBC00, s10;
	s6 =	sor.u32 $0x1C01, s31  }
0xc: {  	s10 =	sshrl.u32 s12, $0x3;
	s12 =	simm.s32 $0x2800;
	s7 =	sadd.s32 $0x1C00, s7  }
0xd: {  	s8 =	sadd.s32 $0x10C00, s9;
	s9 =	smax.u32 s11, $0x1;
	s11 =	simm.s32 $0x1  }
.LBB2_1:
0xe: {  	[spmem:s10], [sflag:s6] =	dma.local [hbm:s5], $0x4F0  }
0xf: {  	_ =	swait.ge [sflag:s11], $0x4F0  }
0x10: {  	[sflag:s11] =	ssyncset.done $0x0  }
0x11: {  	[sflag:s11] =	ssyncadd.s32 $0xFFFFFB10  }
0x12: {  	[tilespmem:s4], [sflag:$0x1] =	stream.linear.gather [hbm4b:s7+s4], $0x2800, $0x38;
	[tilespmem:$0x5780] =	vst v63  }
0x13: {  	_ =	swait.ge [sflag:s11], $0x2800  }
0x14: {  	[sflag:s11] =	ssyncset.done $0x0  }
0x15: {  	[sflag:s11] =	ssyncadd.s32 $0xFFFFD800  }
0x16: {  	[tilespmem:s12], [sflag:$0x1] =	stream.linear.gather [hbm4b:s2+s4], $0x800, $0x38;
	[tilespmem:$0x5780] =	vst v63  }
0x17: {  	_ =	swait.ge [sflag:s11], $0x800  }
0x18: {  	[sflag:s11] =	ssyncset.done $0x0  }
0x19: {  	[sflag:s11] =	ssyncadd.s32 $0xFFFFF800  }
0x1a: {  	s15 =	simm.s32 $0x0;
	[bflag:$0x0] =	sbarrier.arrive $0xFFFF  }
0x1b: {  	[spmem:s3] =	stream.indirect.scatter.add.f32 [tilespmem:s12], [sflag:$0x1], $0x10, s15, s13, $0xb8;
	[tilespmem:$0x5780] =	vst v63  }
0x1c: {  	_ =	swait.ge [sflag:s11], $0x800  }
0x1d: {  	s15 =	simm.s32 $0x200;
	[sflag:s11] =	ssyncset.done $0x0  }
.LBB2_2:
0x1e: {  	s16 =	sshra.s32 s15, $0x2;
	[sflag:s11] =	ssyncadd.s32 $0xFFFFF800;
	p0 =	sne.s32 s15, $0x9E00  }
0x1f: {  	[spmem:s3] =	stream.indirect.scatter.add.f32 [tilespmem:s12], [sflag:$0x1], $0x10, s16, s13, $0xb8;
	[tilespmem:$0x5780] =	vst v63  }
.Ltmp0:
0x20: {  	_ = 	snop;
	(pc) =	sbr.rel @p0 .LBB2_2-.Ltmp0, $4  }
0x21: {  	_ = 	snop  }
0x22: {  	s15 =	sadd.s32 $0x200, s15  }
0x23: {  	_ =	swait.ge [sflag:s11], $0x800  }
0x24: {  	[sflag:s11] =	ssyncset.done $0x0  }
0x25: {  	s14 =	sadd.s32 $0x1, s14  }
0x26: {  	[sflag:s11] =	ssyncadd.s32 $0xFFFFF800;
	p0 =	sne.s32 s14, s9  }
.Ltmp1:
0x27: {  	[bflag:$0x0] =	sbarrier.arrive $0xFFFF;
	(pc) =	sbr.rel @p0 .LBB2_1-.Ltmp1, $4  }
0x28: {  	[hbm:s8], [sflag:s6] =	dma.local [spmem:s10], $0x4F0  }
0x29: {  	_ =	swait.ge [sflag:s11], $0x4F0  }
0x2a: {  	[sflag:s11] =	ssyncset.done $0x0  }
0x2b: {  	[sflag:s11] =	ssyncadd.s32 $0xFFFFFB10  }
0x2c: {  	_ =	sfence.sel $0x180000  }
0x2d: {  	[bflag:$0x0] =	sbarrier.arrive $0xFFFF  }
0x2e: {  	p0 =	sne.s32 s0, $0x0;
	_ =	strace $0x90000047  }
0x2f: {  	s0 =	sadd.s32 @!p0 $0x100000, s1;
	[bflag:$0x2] =	sbarrier.arrive $0xFFFF  }
0x30: {  	[sflag:s0] =	ssyncadd.tile.s32 @!p0 $0x1;
	_ =	shalt  }
.Lfunc_end2:
_tile_overlayer_lowered:
.L_overlay_start_2:
0x31: {  	(tag) =	ssettag $0x2  }
0x32: {  	s0 =	rddreg [dreg:$0x0];
	s2 =	stileid.u32  }
0x33: {  	s1 =	rddreg [dreg:$0x1];
	p0 =	sne.s32 s2, $0x0  }
0x34: {  	s3 =	rddreg [dreg:$0x2];
	[bflag:$0x3] =	sbarrier.arrive $0xFFFF;
	s2 =	simm.s32 @!p0 $0x1C01  }
0x35: {  	[timem:s3], [sflag:s2] =	dma.local @!p0 [hbm:s0], s1  }
0x36: {  	s0 =	simm.s32 @!p0 $0x1  }
0x37: {  	_ =	swait.ge @!p0 [sflag:s0], s1  }
0x38: {  	s1 =	ssub.s32 @!p0 $0x0, s1;
	[sflag:s0] =	ssyncset.done @!p0 $0x0  }
0x39: {  	[sflag:s0] =	ssyncadd.s32 @!p0 s1  }
0x3a: {  	[bflag:$0x3] =	sbarrier.arrive $0xFFFF  }
0x3b: {  	_ =	shalt  }

</sc_bundles>
